<compile_context>
chip_gen: v7x
topology: tpu7x:2x2x1
jax: 0.10.2.dev20260603
libtpu: 0.0.44.dev20260713+nightly
codegen_flags: <defaults>
</compile_context>

<pallas_src>
import functools

import jax
import jax.numpy as jnp
from jax import lax
from jax.experimental import pallas as pl
from jax.experimental.pallas import tpu as pltpu
from jax.experimental.pallas import tpu_sc as plsc

_NW = 32
_CHUNK = 96


def _tc_sum_tables(memory, node_feats):
    n, d = memory.shape
    rb = 2000
    return pl.pallas_call(
        lambda a, b, o: o.__setitem__(..., a[...] + b[...]),
        grid=(n // rb,),
        in_specs=[pl.BlockSpec((rb, d), lambda i: (i, 0))] * 2,
        out_specs=pl.BlockSpec((rb, d), lambda i: (i, 0)),
        out_shape=jax.ShapeDtypeStruct((n, d), jnp.float32),
    )(memory, node_feats)


def _sc_gather_nodes(p_table, src, nbr_idx):
    n_src = src.shape[0]
    n_nbr = nbr_idx.shape[0]
    d = p_table.shape[1]
    src_w = n_src // _NW
    nbr_w = n_nbr // _NW
    src_chunks = src_w // _CHUNK
    nbr_chunks = nbr_w // _CHUNK

    mesh = plsc.VectorSubcoreMesh(core_axis_name="c", subcore_axis_name="s")

    @functools.partial(
        pl.kernel,
        mesh=mesh,
        out_type=(
            jax.ShapeDtypeStruct((n_src, d), jnp.float32),
            jax.ShapeDtypeStruct((n_nbr, d), jnp.float32),
        ),
        scratch_types=[
            pltpu.VMEM((src_w,), jnp.int32),
            pltpu.VMEM((nbr_w,), jnp.int32),
            pltpu.VMEM((_CHUNK, d), jnp.float32),
            pltpu.VMEM((_CHUNK, d), jnp.float32),
            pltpu.SemaphoreType.DMA,
            pltpu.SemaphoreType.DMA,
        ],
    )
    def k(p_hbm, src_hbm, nidx_hbm, src_out, nbr_out,
          sidx_v, nidx_v, buf0, buf1, sem_g, sem_w):
        wid = lax.axis_index("s") * 2 + lax.axis_index("c")
        sbase = wid * src_w
        nbase = wid * nbr_w
        pltpu.sync_copy(src_hbm.at[pl.ds(sbase, src_w)], sidx_v)
        pltpu.sync_copy(nidx_hbm.at[pl.ds(nbase, nbr_w)], nidx_v)

        def node_loop(n_chunks, idx_v, out_ref, base):
            def body(c, carry):
                off = c * _CHUNK
                isl = idx_v.at[pl.ds(off, _CHUNK)]
                pltpu.async_copy(p_hbm.at[isl], buf0, sem_g).wait()
                pltpu.sync_copy(buf0, out_ref.at[pl.ds(base + off, _CHUNK)])
                return carry
            lax.fori_loop(0, n_chunks, body, 0)

        node_loop(src_chunks, sidx_v, src_out, sbase)
        node_loop(nbr_chunks, nidx_v, nbr_out, nbase)

    return k(p_table, src, nbr_idx)


def _sc_gather_edges(edge_feats, eidx):
    n_nbr = eidx.shape[0]
    de = edge_feats.shape[1]
    nbr_w = n_nbr // _NW

    mesh = plsc.VectorSubcoreMesh(core_axis_name="c", subcore_axis_name="s")

    @functools.partial(
        pl.kernel,
        mesh=mesh,
        compiler_params=pltpu.CompilerParams(use_tc_tiling_on_sc=False),
        out_type=jax.ShapeDtypeStruct((n_nbr, de), jnp.float32),
        scratch_types=[
            pltpu.VMEM((nbr_w,), jnp.int32),
            pltpu.VMEM((nbr_w, de), jnp.float32),
            pltpu.SemaphoreType.DMA,
        ],
    )
    def k(ef_hbm, eidx_hbm, edge_out, eidx_v, ebuf, sem_e):
        wid = lax.axis_index("s") * 2 + lax.axis_index("c")
        nbase = wid * nbr_w
        pltpu.sync_copy(eidx_hbm.at[pl.ds(nbase, nbr_w)], eidx_v)
        pltpu.async_copy(ef_hbm.at[eidx_v], ebuf, sem_e).wait()
        pltpu.sync_copy(ebuf, edge_out.at[pl.ds(nbase, nbr_w)])

    return k(edge_feats, eidx)


def _dense(src_rows, nbr_rows, edge_rows, nbrs, time_col, nbr_time, n_nbrs_arr,
           time_w_row, time_b_row,
           WqN, WqT, bq_row, WkN, WkE, WkT, bk_row, WvN, WvE, WvT, bv_row,
           Wm1a, Wm1b, bm1_row, Wm2, bm2_row,
           Wsrc, bsrc_row, Wdst, bdst_row, Wout, bout_row):
    B = src_rows.shape[0]
    NB = nbrs.shape[1]
    D = src_rows.shape[1]
    DE = edge_rows.shape[1]
    TD = time_w_row.shape[1]
    RB = 128
    seg = B // 3
    grid = seg // RB
    seg_blk = seg // RB
    NH = 2
    DH = D // NH

    def seg_specs_shape(shape):
        return [pl.BlockSpec(shape, lambda i, s=s: (i + s * seg_blk, 0))
                for s in range(3)]

    w_spec = lambda a: pl.BlockSpec(a.shape, lambda i: tuple(0 for _ in a.shape))

    def body(n_nbrs_ref,
             g0, g1, g2, nb0, nb1, nb2, ed0, ed1, ed2,
             ix0, ix1, ix2, t0, t1, t2, nt0, nt1, nt2,
             tw, tb, wqn, wqt, bq, wkn, wke, wkt, bk, wvn, wve, wvt, bv,
             wm1a, wm1b, bm1, wm2, bm2, wsr, bsr, wds, bds, wout, bout,
             pos_ref, neg_ref):
        nn = n_nbrs_ref[0, 0]
        tw_v = tw[...]
        tb_v = tb[...]
        qtime = jnp.cos(tb_v)
        qconst = jnp.dot(qtime, wqt[...],
                         preferred_element_type=jnp.float32) + bq[...]
        scale = 1.0 / (DH ** 0.5)
        lane_n = lax.broadcasted_iota(jnp.int32, (RB, NB), 1)
        invalid_n = lane_n >= nn

        tw3 = jnp.reshape(tw_v, (1, 1, TD))
        tb3 = jnp.reshape(tb_v, (1, 1, TD))

        def cos_small(x):
            x2 = x * x
            c = jnp.float32(1.0 / 20922789888000.0)
            for k in (-1.0 / 87178291200.0, 1.0 / 479001600.0,
                      -1.0 / 3628800.0, 1.0 / 40320.0, -1.0 / 720.0,
                      1.0 / 24.0, -0.5, 1.0):
                c = c * x2 + jnp.float32(k)
            return c

        def embed(nf_ref, nbr_ref, edg_ref, ix_ref, t_ref, nt_ref):
            nf = nf_ref[...]
            nbr = nbr_ref[...]
            edg = edg_ref[...]
            t = t_ref[...]
            nt = nt_ref[...]
            delta = t - nt
            tf3 = cos_small(delta[:, :, None] * tw3 + tb3)
            tf = jnp.reshape(tf3, (RB * NB, TD)).astype(jnp.bfloat16)
            nbrh = nbr.astype(jnp.bfloat16)
            edgh = edg.astype(jnp.bfloat16)
            mm = functools.partial(jnp.dot, preferred_element_type=jnp.float32)
            kmat = (mm(nbrh, wkn[...].astype(jnp.bfloat16))
                    + mm(edgh, wke[...].astype(jnp.bfloat16))
                    + mm(tf, wkt[...].astype(jnp.bfloat16))
                    + bk[...])
            vmat = (mm(nbrh, wvn[...].astype(jnp.bfloat16))
                    + mm(edgh, wve[...].astype(jnp.bfloat16))
                    + mm(tf, wvt[...].astype(jnp.bfloat16))
                    + bv[...])
            q = (mm(nf, wqn[...]) + qconst) * scale
            k3 = jnp.reshape(kmat, (RB, NB, D))
            v3 = jnp.reshape(vmat, (RB, NB, D))
            qk3 = k3 * q[:, None, :]
            bad = (ix_ref[...] == 0) | invalid_n
            outs = []
            for h in range(NH):
                s = jnp.sum(qk3[:, :, h * DH:(h + 1) * DH], axis=2)
                s = jnp.where(bad, jnp.float32(-1e9), s)
                mx = jnp.max(s, axis=1, keepdims=True)
                e = jnp.exp(s - mx)
                attn = e / jnp.sum(e, axis=1, keepdims=True)
                av = jnp.sum(attn[:, :, None] * v3[:, :, h * DH:(h + 1) * DH],
                             axis=1)
                outs.append(av)
            out = jnp.concatenate(outs, axis=1)
            z1 = jnp.maximum(
                mm(out, wm1a[...]) + mm(nf, wm1b[...]) + bm1[...], 0.0)
            return mm(z1, wm2[...]) + bm2[...]

        z_s = embed(g0, nb0, ed0, ix0, t0, nt0)
        z_d = embed(g1, nb1, ed1, ix1, t1, nt1)
        z_n = embed(g2, nb2, ed2, ix2, t2, nt2)
        mm = functools.partial(jnp.dot, preferred_element_type=jnp.float32)
        a = mm(z_s, wsr[...]) + bsr[...]
        wo = wout[...]
        bo = bout[...]
        h_pos = jnp.maximum(a + mm(z_d, wds[...]) + bds[...], 0.0)
        h_neg = jnp.maximum(a + mm(z_n, wds[...]) + bds[...], 0.0)
        pos_ref[...] = jax.nn.sigmoid(mm(h_pos, wo) + bo)
        neg_ref[...] = jax.nn.sigmoid(mm(h_neg, wo) + bo)

    n_nbrs_arr2 = n_nbrs_arr.reshape(1, 1)
    in_specs = (
        [pl.BlockSpec((1, 1), lambda i: (0, 0))]
        + seg_specs_shape((RB, D))
        + seg_specs_shape((RB * NB, D))
        + seg_specs_shape((RB * NB, DE))
        + seg_specs_shape((RB, NB))
        + seg_specs_shape((RB, 1))
        + seg_specs_shape((RB, NB))
        + [w_spec(a) for a in (
            time_w_row, time_b_row, WqN, WqT, bq_row, WkN, WkE, WkT, bk_row,
            WvN, WvE, WvT, bv_row, Wm1a, Wm1b, bm1_row, Wm2, bm2_row,
            Wsrc, bsrc_row, Wdst, bdst_row, Wout, bout_row)]
    )
    pos, neg = pl.pallas_call(
        body,
        grid=(grid,),
        in_specs=in_specs,
        out_specs=[pl.BlockSpec((RB, 1), lambda i: (i, 0))] * 2,
        out_shape=[jax.ShapeDtypeStruct((seg, 1), jnp.float32)] * 2,
    )(
        n_nbrs_arr2,
        src_rows, src_rows, src_rows,
        nbr_rows, nbr_rows, nbr_rows,
        edge_rows, edge_rows, edge_rows,
        nbrs, nbrs, nbrs,
        time_col, time_col, time_col,
        nbr_time, nbr_time, nbr_time,
        time_w_row, time_b_row, WqN, WqT, bq_row, WkN, WkE, WkT, bk_row,
        WvN, WvE, WvT, bv_row, Wm1a, Wm1b, bm1_row, Wm2, bm2_row,
        Wsrc, bsrc_row, Wdst, bdst_row, Wout, bout_row,
    )
    return pos.reshape(-1), neg.reshape(-1)


def kernel(memory, src, time, nbrs, edge_idxs, nbr_time, n_nbrs, node_feats,
           edge_feats, time_w, time_b, Wq, bq, Wk, bk, Wv, bv, Wm1, bm1,
           Wm2, bm2, Wsrc, bsrc, Wdst, bdst, Wout, bout):
    B, NB = nbrs.shape
    D = memory.shape[1]
    DE = edge_feats.shape[1]
    TD = time_w.shape[0]

    src_i = src.astype(jnp.int32)
    nbr_i = nbrs.reshape(-1).astype(jnp.int32)
    eidx_i = edge_idxs.reshape(-1).astype(jnp.int32)

    p_table = _tc_sum_tables(memory, node_feats)
    src_rows, nbr_rows = _sc_gather_nodes(p_table, src_i, nbr_i)
    edge_rows = _sc_gather_edges(edge_feats, eidx_i)

    WqN, WqT = Wq[:D], Wq[D:]
    WkN, WkE, WkT = Wk[:D], Wk[D:D + DE], Wk[D + DE:]
    WvN, WvE, WvT = Wv[:D], Wv[D:D + DE], Wv[D + DE:]
    Wm1a, Wm1b = Wm1[:D], Wm1[D:]

    row = lambda v: v.reshape(1, -1)
    pos, neg = _dense(
        src_rows, nbr_rows, edge_rows,
        nbrs.astype(jnp.int32), time.reshape(B, 1), nbr_time,
        jnp.asarray(n_nbrs, jnp.int32),
        row(time_w), row(time_b),
        WqN, WqT, row(bq), WkN, WkE, WkT, row(bk), WvN, WvE, WvT, row(bv),
        Wm1a, Wm1b, row(bm1), Wm2, row(bm2),
        Wsrc, row(bsrc), Wdst, row(bdst), Wout, row(bout))
    return pos, neg

# --- scband reference (transcript-rebuilt; emitter-appended) ---
"""Pipeline reference for scband-graph-attention-embedding-41738492182815 (READ-ONLY COPY).

The authoritative reference and input builder live on the scoring server;
editing this copy changes nothing except your own understanding.
"""

import jax, jax.numpy as jnp
import numpy as np

NODE_DIM = 256
EDGE_DIM = 16
TIME_DIM = 100
EMBED_DIM = 256
N_HEADS = 2
N_NODES = 50000
N_EDGES = 1600000
B = 6144
N_NBRS = 20


def _time_encode(t, w, b):
    return jnp.cos(t[..., None] * w + b)


def setup_inputs(seed: int = 0) -> dict:
    key = jax.random.key(seed)
    ks = jax.random.split(key, 30)
    inp = {}
    inp['memory'] = jax.random.normal(ks[0], (N_NODES, NODE_DIM), dtype=jnp.float32)
    inp['src'] = jax.random.randint(ks[1], (B,), 0, N_NODES)
    inp['time'] = jax.random.uniform(ks[2], (B,), dtype=jnp.float32)
    inp['nbrs'] = jax.random.randint(ks[3], (B, N_NBRS), 0, N_NODES)
    inp['edge_idxs'] = jax.random.randint(ks[4], (B, N_NBRS), 0, N_EDGES)
    inp['nbr_time'] = jax.random.uniform(ks[5], (B, N_NBRS), dtype=jnp.float32)
    inp['n_nbrs'] = N_NBRS
    q_dim = NODE_DIM + TIME_DIM
    k_dim = NODE_DIM + EDGE_DIM + TIME_DIM
    def w(k, *sh):
        return jax.random.normal(k, sh, dtype=jnp.float32) * 0.02
    inp['node_feats'] = jax.random.normal(ks[6], (N_NODES, NODE_DIM), dtype=jnp.float32)
    inp['edge_feats'] = jax.random.normal(ks[7], (N_EDGES, EDGE_DIM), dtype=jnp.float32)
    inp['time_w'] = w(ks[8], TIME_DIM)
    inp['time_b'] = w(ks[9], TIME_DIM)
    inp['Wq'] = w(ks[10], q_dim, EMBED_DIM); inp['bq'] = jnp.zeros((EMBED_DIM,), jnp.float32)
    inp['Wk'] = w(ks[11], k_dim, EMBED_DIM); inp['bk'] = jnp.zeros((EMBED_DIM,), jnp.float32)
    inp['Wv'] = w(ks[12], k_dim, EMBED_DIM); inp['bv'] = jnp.zeros((EMBED_DIM,), jnp.float32)
    inp['Wm1'] = w(ks[13], EMBED_DIM + NODE_DIM, EMBED_DIM); inp['bm1'] = jnp.zeros((EMBED_DIM,), jnp.float32)
    inp['Wm2'] = w(ks[14], EMBED_DIM, EMBED_DIM); inp['bm2'] = jnp.zeros((EMBED_DIM,), jnp.float32)
    inp['Wsrc'] = w(ks[15], EMBED_DIM, EMBED_DIM); inp['bsrc'] = jnp.zeros((EMBED_DIM,), jnp.float32)
    inp['Wdst'] = w(ks[16], EMBED_DIM, EMBED_DIM); inp['bdst'] = jnp.zeros((EMBED_DIM,), jnp.float32)
    inp['Wout'] = w(ks[17], EMBED_DIM, 1); inp['bout'] = jnp.zeros((1,), jnp.float32)
    return inp


def reference(memory, src, time, nbrs, edge_idxs, nbr_time, n_nbrs, node_feats, edge_feats, time_w, time_b, Wq, bq, Wk, bk, Wv, bv, Wm1, bm1, Wm2, bm2, Wsrc, bsrc, Wdst, bdst, Wout, bout):
    Bsz = src.shape[0]
    n_nbrs_static = nbrs.shape[1]
    # node (query) features: memory + static node features (gather)
    node_feat = memory[src] + node_feats[src]                    # [B, node_dim]
    # time encoding of zero deltas for the query nodes
    time_feat = _time_encode(jnp.zeros_like(time), time_w, time_b)  # [B, time_dim]
    # neighbor features (gather) and time deltas
    time_delta = time[:, None] - nbr_time                        # [B, n_nbrs]
    nbr_node_feat = memory[nbrs] + node_feats[nbrs]              # [B, n_nbrs, node_dim]
    nbr_time_feat = _time_encode(time_delta, time_w, time_b)     # [B, n_nbrs, time_dim]
    edge_feat = edge_feats[edge_idxs]                            # [B, n_nbrs, edge_dim]
    valid = jnp.arange(n_nbrs_static) < n_nbrs                   # [n_nbrs]
    nbr_mask = (nbrs == 0) | ~valid[None, :]                     # [B, n_nbrs]
    # temporal multi-head attention
    d = Wq.shape[1]
    dh = d // N_HEADS
    q_in = jnp.concatenate([node_feat, time_feat], axis=-1)      # [B, q_dim]
    k_in = jnp.concatenate([nbr_node_feat, edge_feat, nbr_time_feat], axis=-1)  # [B, n, k_dim]
    q = (q_in @ Wq + bq).reshape(Bsz, N_HEADS, dh)
    k = (k_in @ Wk + bk).reshape(Bsz, n_nbrs_static, N_HEADS, dh)
    v = (k_in @ Wv + bv).reshape(Bsz, n_nbrs_static, N_HEADS, dh)
    scores = jnp.einsum('bhd,bnhd->bhn', q, k) / jnp.sqrt(jnp.float32(dh))
    scores = jnp.where(nbr_mask[:, None, :], jnp.float32(-1e9), scores)
    attn = jax.nn.softmax(scores, axis=-1)
    out = jnp.einsum('bhn,bnhd->bhd', attn, v).reshape(Bsz, d)
    # merge with residual node features
    h = jnp.concatenate([out, node_feat], axis=-1)
    z = jax.nn.relu(h @ Wm1 + bm1) @ Wm2 + bm2                   # [B, embed_dim]
    z_src, z_dst, z_neg = jnp.split(z, 3, axis=0)
    def link_pred(a, b):
        hh = jax.nn.relu(a @ Wsrc + bsrc + b @ Wdst + bdst)
        return jax.nn.sigmoid(hh @ Wout + bout).reshape(-1)
    pos_out = link_pred(z_src, z_dst)
    neg_out = link_pred(z_src, z_neg)
    return (pos_out, neg_out)

if __name__ == "__main__":
    import jax
    _d = setup_inputs()
    print(jax.jit(kernel)(*tuple(_d.values())))

</pallas_src>

<mosaic_0001>
#map = affine_map<(d0, d1) -> (0, 0)>
#map1 = affine_map<(d0, d1) -> (0)>
module attributes {stable_mosaic.version = 14 : i64} {
  func.func @k(%arg0: i32, %arg1: i32, %arg2: memref<50000x256xf32, #tpu.memory_space<hbm>>, %arg3: memref<6144xi32, #tpu.memory_space<hbm>>, %arg4: memref<122880xi32, #tpu.memory_space<hbm>>, %arg5: memref<6144x256xf32, #tpu.memory_space<hbm>>, %arg6: memref<122880x256xf32, #tpu.memory_space<hbm>>, %arg7: memref<192xi32, #tpu.memory_space<vmem>>, %arg8: memref<3840xi32, #tpu.memory_space<vmem>>, %arg9: memref<96x256xf32, #tpu.memory_space<vmem>>, %arg10: memref<96x256xf32, #tpu.memory_space<vmem>>, %arg11: memref<!tpu.dma_semaphore, #tpu.memory_space<semaphore_mem>>, %arg12: memref<!tpu.dma_semaphore, #tpu.memory_space<semaphore_mem>>) attributes {dimension_semantics = [#tpu.dimension_semantics<core_parallel>, #tpu.dimension_semantics<subcore_parallel>], iteration_bounds = array<i64: 2, 16>, scalar_prefetch = 0 : i64, scratch_operands = 6 : i64, tpu.core_type = #tpu.core_type<sc_vector_subcore>, window_params = [{transform_indices = #map}, {transform_indices = #map1}, {transform_indices = #map1}, {transform_indices = #map}, {transform_indices = #map}]} {
    %mul3A = arith.constant 2 : i32
    %mul3A_0 = arith.muli %arg1, %mul3A : i32
    %add3A = arith.addi %mul3A_0, %arg0 : i32
    %mul3A_1 = arith.constant 192 : i32
    %mul3A_2 = arith.muli %add3A, %mul3A_1 : i32
    %mul3A_3 = arith.constant 3840 : i32
    %mul3A_4 = arith.muli %add3A, %mul3A_3 : i32
    "tpu.region"() ({
      %run_scoped3A = tpu.sem_alloc : memref<!tpu.dma_semaphore, #tpu.memory_space<semaphore_mem>>
      %dma_start3A = tpu.memref_slice %arg3[%mul3A_2] : memref<6144xi32, #tpu.memory_space<hbm>> -> memref<192xi32, #tpu.memory_space<hbm>>
      %dma_start3A_16 = tpu.memref_slice %arg3[%mul3A_2] : memref<6144xi32, #tpu.memory_space<hbm>> -> memref<192xi32, #tpu.memory_space<hbm>>
      tpu.enqueue_dma source(%dma_start3A_16 : memref<192xi32, #tpu.memory_space<hbm>>) target(%arg7 : memref<192xi32, #tpu.memory_space<vmem>>) target_semaphore(%run_scoped3A : memref<!tpu.dma_semaphore, #tpu.memory_space<semaphore_mem>>)
      %dma_wait3A = tpu.memref_slice %arg3[%mul3A_2] : memref<6144xi32, #tpu.memory_space<hbm>> -> memref<192xi32, #tpu.memory_space<hbm>>
      %dma_wait3A_17 = tpu.memref_slice %arg3[%mul3A_2] : memref<6144xi32, #tpu.memory_space<hbm>> -> memref<192xi32, #tpu.memory_space<hbm>>
      tpu.wait_dma2 semaphore(%run_scoped3A : memref<!tpu.dma_semaphore, #tpu.memory_space<semaphore_mem>>) src(%dma_wait3A_17 : memref<192xi32, #tpu.memory_space<hbm>>) dst(%arg7 : memref<192xi32, #tpu.memory_space<vmem>>)
      tpu.yield
    }) : () -> ()
    "tpu.region"() ({
      %run_scoped3A = tpu.sem_alloc : memref<!tpu.dma_semaphore, #tpu.memory_space<semaphore_mem>>
      %dma_start3A = tpu.memref_slice %arg4[%mul3A_4] : memref<122880xi32, #tpu.memory_space<hbm>> -> memref<3840xi32, #tpu.memory_space<hbm>>
      %dma_start3A_16 = tpu.memref_slice %arg4[%mul3A_4] : memref<122880xi32, #tpu.memory_space<hbm>> -> memref<3840xi32, #tpu.memory_space<hbm>>
      tpu.enqueue_dma source(%dma_start3A_16 : memref<3840xi32, #tpu.memory_space<hbm>>) target(%arg8 : memref<3840xi32, #tpu.memory_space<vmem>>) target_semaphore(%run_scoped3A : memref<!tpu.dma_semaphore, #tpu.memory_space<semaphore_mem>>)
      %dma_wait3A = tpu.memref_slice %arg4[%mul3A_4] : memref<122880xi32, #tpu.memory_space<hbm>> -> memref<3840xi32, #tpu.memory_space<hbm>>
      %dma_wait3A_17 = tpu.memref_slice %arg4[%mul3A_4] : memref<122880xi32, #tpu.memory_space<hbm>> -> memref<3840xi32, #tpu.memory_space<hbm>>
      tpu.wait_dma2 semaphore(%run_scoped3A : memref<!tpu.dma_semaphore, #tpu.memory_space<semaphore_mem>>) src(%dma_wait3A_17 : memref<3840xi32, #tpu.memory_space<hbm>>) dst(%arg8 : memref<3840xi32, #tpu.memory_space<vmem>>)
      tpu.yield
    }) : () -> ()
    %scan3A = arith.constant 0 : i32
    %scan3A_5 = arith.constant 0 : i32
    %scan3A_6 = arith.constant 2 : i32
    %scan3A_7 = arith.addi %scan3A_5, %scan3A_6 : i32
    %scan3A_8 = arith.constant 1 : i32
    scf.for %scan3A_16 = %scan3A_5 to %scan3A_7 step %scan3A_8  : i32 {
      %mul3A_17 = arith.constant 96 : i32
      %mul3A_18 = arith.muli %scan3A_16, %mul3A_17 : i32
      %dma_start3A = tpu.memref_slice %arg7[%mul3A_18] : memref<192xi32, #tpu.memory_space<vmem>> -> memref<96xi32, #tpu.memory_space<vmem>>
      %dma_start3A_19 = arith.constant 0 : i32
      %dma_start3A_20 = arith.constant 0 : i32
      %dma_start3A_21 = tpu.memref_slice %arg2[%dma_start3A_19, %dma_start3A_20] : memref<50000x256xf32, #tpu.memory_space<hbm>> -> memref<50000x256xf32, #tpu.memory_space<hbm>>
      tpu.enqueue_indirect_dma source(%dma_start3A_21 : memref<50000x256xf32, #tpu.memory_space<hbm>>) target(%arg9 : memref<96x256xf32, #tpu.memory_space<vmem>>) offsets(%dma_start3A : memref<96xi32, #tpu.memory_space<vmem>>) semaphore(%arg11 : memref<!tpu.dma_semaphore, #tpu.memory_space<semaphore_mem>>)
      %dma_wait3A = tpu.memref_slice %arg7[%mul3A_18] : memref<192xi32, #tpu.memory_space<vmem>> -> memref<96xi32, #tpu.memory_space<vmem>>
      %dma_wait3A_22 = arith.constant 0 : i32
      %dma_wait3A_23 = arith.constant 0 : i32
      %dma_wait3A_24 = tpu.memref_slice %arg2[%dma_wait3A_22, %dma_wait3A_23] : memref<50000x256xf32, #tpu.memory_space<hbm>> -> memref<50000x256xf32, #tpu.memory_space<hbm>>
      tpu.wait_indirect_dma semaphore(%arg11 : memref<!tpu.dma_semaphore, #tpu.memory_space<semaphore_mem>>) src(%dma_wait3A_24 : memref<50000x256xf32, #tpu.memory_space<hbm>>) dst(%arg9 : memref<96x256xf32, #tpu.memory_space<vmem>>)
      %add3A_25 = arith.addi %mul3A_2, %mul3A_18 : i32
      "tpu.region"() ({
        %run_scoped3A = tpu.sem_alloc : memref<!tpu.dma_semaphore, #tpu.memory_space<semaphore_mem>>
        %dma_start3A_26 = arith.constant 0 : i32
        %dma_start3A_27 = tpu.memref_slice %arg5[%add3A_25, %dma_start3A_26] : memref<6144x256xf32, #tpu.memory_space<hbm>> -> memref<96x256xf32, #tpu.memory_space<hbm>>
        %dma_start3A_28 = arith.constant 0 : i32
        %dma_start3A_29 = tpu.memref_slice %arg5[%add3A_25, %dma_start3A_28] : memref<6144x256xf32, #tpu.memory_space<hbm>> -> memref<96x256xf32, #tpu.memory_space<hbm>>
        tpu.enqueue_dma source(%arg9 : memref<96x256xf32, #tpu.memory_space<vmem>>) target(%dma_start3A_29 : memref<96x256xf32, #tpu.memory_space<hbm>>) target_semaphore(%run_scoped3A : memref<!tpu.dma_semaphore, #tpu.memory_space<semaphore_mem>>)
        %dma_wait3A_30 = arith.constant 0 : i32
        %dma_wait3A_31 = tpu.memref_slice %arg5[%add3A_25, %dma_wait3A_30] : memref<6144x256xf32, #tpu.memory_space<hbm>> -> memref<96x256xf32, #tpu.memory_space<hbm>>
        %dma_wait3A_32 = arith.constant 0 : i32
        %dma_wait3A_33 = tpu.memref_slice %arg5[%add3A_25, %dma_wait3A_32] : memref<6144x256xf32, #tpu.memory_space<hbm>> -> memref<96x256xf32, #tpu.memory_space<hbm>>
        tpu.wait_dma2 semaphore(%run_scoped3A : memref<!tpu.dma_semaphore, #tpu.memory_space<semaphore_mem>>) src(%arg9 : memref<96x256xf32, #tpu.memory_space<vmem>>) dst(%dma_wait3A_33 : memref<96x256xf32, #tpu.memory_space<hbm>>)
        tpu.yield
      }) : () -> ()
    }
    %scan3A_9 = arith.constant 2 : i32
    %scan3A_10 = arith.constant 0 : i32
    %scan3A_11 = arith.constant 0 : i32
    %scan3A_12 = arith.constant 40 : i32
    %scan3A_13 = arith.addi %scan3A_11, %scan3A_12 : i32
    %scan3A_14 = arith.constant 1 : i32
    scf.for %scan3A_16 = %scan3A_11 to %scan3A_13 step %scan3A_14  : i32 {
      %mul3A_17 = arith.constant 96 : i32
      %mul3A_18 = arith.muli %scan3A_16, %mul3A_17 : i32
      %dma_start3A = tpu.memref_slice %arg8[%mul3A_18] : memref<3840xi32, #tpu.memory_space<vmem>> -> memref<96xi32, #tpu.memory_space<vmem>>
      %dma_start3A_19 = arith.constant 0 : i32
      %dma_start3A_20 = arith.constant 0 : i32
      %dma_start3A_21 = tpu.memref_slice %arg2[%dma_start3A_19, %dma_start3A_20] : memref<50000x256xf32, #tpu.memory_space<hbm>> -> memref<50000x256xf32, #tpu.memory_space<hbm>>
      tpu.enqueue_indirect_dma source(%dma_start3A_21 : memref<50000x256xf32, #tpu.memory_space<hbm>>) target(%arg9 : memref<96x256xf32, #tpu.memory_space<vmem>>) offsets(%dma_start3A : memref<96xi32, #tpu.memory_space<vmem>>) semaphore(%arg11 : memref<!tpu.dma_semaphore, #tpu.memory_space<semaphore_mem>>)
      %dma_wait3A = tpu.memref_slice %arg8[%mul3A_18] : memref<3840xi32, #tpu.memory_space<vmem>> -> memref<96xi32, #tpu.memory_space<vmem>>
      %dma_wait3A_22 = arith.constant 0 : i32
      %dma_wait3A_23 = arith.constant 0 : i32
      %dma_wait3A_24 = tpu.memref_slice %arg2[%dma_wait3A_22, %dma_wait3A_23] : memref<50000x256xf32, #tpu.memory_space<hbm>> -> memref<50000x256xf32, #tpu.memory_space<hbm>>
      tpu.wait_indirect_dma semaphore(%arg11 : memref<!tpu.dma_semaphore, #tpu.memory_space<semaphore_mem>>) src(%dma_wait3A_24 : memref<50000x256xf32, #tpu.memory_space<hbm>>) dst(%arg9 : memref<96x256xf32, #tpu.memory_space<vmem>>)
      %add3A_25 = arith.addi %mul3A_4, %mul3A_18 : i32
      "tpu.region"() ({
        %run_scoped3A = tpu.sem_alloc : memref<!tpu.dma_semaphore, #tpu.memory_space<semaphore_mem>>
        %dma_start3A_26 = arith.constant 0 : i32
        %dma_start3A_27 = tpu.memref_slice %arg6[%add3A_25, %dma_start3A_26] : memref<122880x256xf32, #tpu.memory_space<hbm>> -> memref<96x256xf32, #tpu.memory_space<hbm>>
        %dma_start3A_28 = arith.constant 0 : i32
        %dma_start3A_29 = tpu.memref_slice %arg6[%add3A_25, %dma_start3A_28] : memref<122880x256xf32, #tpu.memory_space<hbm>> -> memref<96x256xf32, #tpu.memory_space<hbm>>
        tpu.enqueue_dma source(%arg9 : memref<96x256xf32, #tpu.memory_space<vmem>>) target(%dma_start3A_29 : memref<96x256xf32, #tpu.memory_space<hbm>>) target_semaphore(%run_scoped3A : memref<!tpu.dma_semaphore, #tpu.memory_space<semaphore_mem>>)
        %dma_wait3A_30 = arith.constant 0 : i32
        %dma_wait3A_31 = tpu.memref_slice %arg6[%add3A_25, %dma_wait3A_30] : memref<122880x256xf32, #tpu.memory_space<hbm>> -> memref<96x256xf32, #tpu.memory_space<hbm>>
        %dma_wait3A_32 = arith.constant 0 : i32
        %dma_wait3A_33 = tpu.memref_slice %arg6[%add3A_25, %dma_wait3A_32] : memref<122880x256xf32, #tpu.memory_space<hbm>> -> memref<96x256xf32, #tpu.memory_space<hbm>>
        tpu.wait_dma2 semaphore(%run_scoped3A : memref<!tpu.dma_semaphore, #tpu.memory_space<semaphore_mem>>) src(%arg9 : memref<96x256xf32, #tpu.memory_space<vmem>>) dst(%dma_wait3A_33 : memref<96x256xf32, #tpu.memory_space<hbm>>)
        tpu.yield
      }) : () -> ()
    }
    %scan3A_15 = arith.constant 40 : i32
    return
  }
}

#map = affine_map<(d0, d1) -> (0, 0)>
#map1 = affine_map<(d0, d1) -> (0)>
module attributes {stable_mosaic.version = 14 : i64} {
  func.func @k(%arg0: i32, %arg1: i32, %arg2: memref<1600000x16xf32, #tpu.memory_space<hbm>>, %arg3: memref<122880xi32, #tpu.memory_space<hbm>>, %arg4: memref<122880x16xf32, #tpu.memory_space<hbm>>, %arg5: memref<3840xi32, #tpu.memory_space<vmem>>, %arg6: memref<3840x16xf32, #tpu.memory_space<vmem>>, %arg7: memref<!tpu.dma_semaphore, #tpu.memory_space<semaphore_mem>>) attributes {dimension_semantics = [#tpu.dimension_semantics<core_parallel>, #tpu.dimension_semantics<subcore_parallel>], iteration_bounds = array<i64: 2, 16>, scalar_prefetch = 0 : i64, scratch_operands = 3 : i64, tpu.core_type = #tpu.core_type<sc_vector_subcore>, window_params = [{transform_indices = #map}, {transform_indices = #map1}, {transform_indices = #map}]} {
    %mul3A = arith.constant 2 : i32
    %mul3A_0 = arith.muli %arg1, %mul3A : i32
    %add3A = arith.addi %mul3A_0, %arg0 : i32
    %mul3A_1 = arith.constant 3840 : i32
    %mul3A_2 = arith.muli %add3A, %mul3A_1 : i32
    "tpu.region"() ({
      %run_scoped3A = tpu.sem_alloc : memref<!tpu.dma_semaphore, #tpu.memory_space<semaphore_mem>>
      %dma_start3A_7 = tpu.memref_slice %arg3[%mul3A_2] : memref<122880xi32, #tpu.memory_space<hbm>> -> memref<3840xi32, #tpu.memory_space<hbm>>
      %dma_start3A_8 = tpu.memref_slice %arg3[%mul3A_2] : memref<122880xi32, #tpu.memory_space<hbm>> -> memref<3840xi32, #tpu.memory_space<hbm>>
      tpu.enqueue_dma source(%dma_start3A_8 : memref<3840xi32, #tpu.memory_space<hbm>>) target(%arg5 : memref<3840xi32, #tpu.memory_space<vmem>>) target_semaphore(%run_scoped3A : memref<!tpu.dma_semaphore, #tpu.memory_space<semaphore_mem>>)
      %dma_wait3A_9 = tpu.memref_slice %arg3[%mul3A_2] : memref<122880xi32, #tpu.memory_space<hbm>> -> memref<3840xi32, #tpu.memory_space<hbm>>
      %dma_wait3A_10 = tpu.memref_slice %arg3[%mul3A_2] : memref<122880xi32, #tpu.memory_space<hbm>> -> memref<3840xi32, #tpu.memory_space<hbm>>
      tpu.wait_dma2 semaphore(%run_scoped3A : memref<!tpu.dma_semaphore, #tpu.memory_space<semaphore_mem>>) src(%dma_wait3A_10 : memref<3840xi32, #tpu.memory_space<hbm>>) dst(%arg5 : memref<3840xi32, #tpu.memory_space<vmem>>)
      tpu.yield
    }) : () -> ()
    %dma_start3A = arith.constant 0 : i32
    %dma_start3A_3 = arith.constant 0 : i32
    %dma_start3A_4 = tpu.memref_slice %arg2[%dma_start3A, %dma_start3A_3] : memref<1600000x16xf32, #tpu.memory_space<hbm>> -> memref<1600000x16xf32, #tpu.memory_space<hbm>>
    tpu.enqueue_indirect_dma source(%dma_start3A_4 : memref<1600000x16xf32, #tpu.memory_space<hbm>>) target(%arg6 : memref<3840x16xf32, #tpu.memory_space<vmem>>) offsets(%arg5 : memref<3840xi32, #tpu.memory_space<vmem>>) semaphore(%arg7 : memref<!tpu.dma_semaphore, #tpu.memory_space<semaphore_mem>>)
    %dma_wait3A = arith.constant 0 : i32
    %dma_wait3A_5 = arith.constant 0 : i32
    %dma_wait3A_6 = tpu.memref_slice %arg2[%dma_wait3A, %dma_wait3A_5] : memref<1600000x16xf32, #tpu.memory_space<hbm>> -> memref<1600000x16xf32, #tpu.memory_space<hbm>>
    tpu.wait_indirect_dma semaphore(%arg7 : memref<!tpu.dma_semaphore, #tpu.memory_space<semaphore_mem>>) src(%dma_wait3A_6 : memref<1600000x16xf32, #tpu.memory_space<hbm>>) dst(%arg6 : memref<3840x16xf32, #tpu.memory_space<vmem>>)
    "tpu.region"() ({
      %run_scoped3A = tpu.sem_alloc : memref<!tpu.dma_semaphore, #tpu.memory_space<semaphore_mem>>
      %dma_start3A_7 = arith.constant 0 : i32
      %dma_start3A_8 = tpu.memref_slice %arg4[%mul3A_2, %dma_start3A_7] : memref<122880x16xf32, #tpu.memory_space<hbm>> -> memref<3840x16xf32, #tpu.memory_space<hbm>>
      %dma_start3A_9 = arith.constant 0 : i32
      %dma_start3A_10 = tpu.memref_slice %arg4[%mul3A_2, %dma_start3A_9] : memref<122880x16xf32, #tpu.memory_space<hbm>> -> memref<3840x16xf32, #tpu.memory_space<hbm>>
      tpu.enqueue_dma source(%arg6 : memref<3840x16xf32, #tpu.memory_space<vmem>>) target(%dma_start3A_10 : memref<3840x16xf32, #tpu.memory_space<hbm>>) target_semaphore(%run_scoped3A : memref<!tpu.dma_semaphore, #tpu.memory_space<semaphore_mem>>)
      %dma_wait3A_11 = arith.constant 0 : i32
      %dma_wait3A_12 = tpu.memref_slice %arg4[%mul3A_2, %dma_wait3A_11] : memref<122880x16xf32, #tpu.memory_space<hbm>> -> memref<3840x16xf32, #tpu.memory_space<hbm>>
      %dma_wait3A_13 = arith.constant 0 : i32
      %dma_wait3A_14 = tpu.memref_slice %arg4[%mul3A_2, %dma_wait3A_13] : memref<122880x16xf32, #tpu.memory_space<hbm>> -> memref<3840x16xf32, #tpu.memory_space<hbm>>
      tpu.wait_dma2 semaphore(%run_scoped3A : memref<!tpu.dma_semaphore, #tpu.memory_space<semaphore_mem>>) src(%arg6 : memref<3840x16xf32, #tpu.memory_space<vmem>>) dst(%dma_wait3A_14 : memref<3840x16xf32, #tpu.memory_space<hbm>>)
      tpu.yield
    }) : () -> ()
    return
  }
}

module attributes {stable_mosaic.version = 14 : i64} {
  func.func @_lambda_(%arg0: i32, %arg1: memref<2000x256xf32, #tpu.memory_space<vmem>>, %arg2: memref<2000x256xf32, #tpu.memory_space<vmem>>, %arg3: memref<2000x256xf32, #tpu.memory_space<vmem>>) attributes {dimension_semantics = [#tpu.dimension_semantics<arbitrary>], iteration_bounds = array<i64: 25>, scalar_prefetch = 0 : i64, scratch_operands = 0 : i64, tpu.core_type = #tpu.core_type<tc>, window_params = [{transform_indices = @transform_0, window_bounds = array<i64: 2000, 256>}, {transform_indices = @transform_1, window_bounds = array<i64: 2000, 256>}, {transform_indices = @transform_2, window_bounds = array<i64: 2000, 256>}]} {
    %get3A = arith.constant 0 : index
    %get3A_0 = arith.constant 0 : index
    %get3A_1 = vector.load %arg1[%get3A, %get3A_0] : memref<2000x256xf32, #tpu.memory_space<vmem>>, vector<2000x256xf32>
    %get3A_2 = arith.constant 0 : index
    %get3A_3 = arith.constant 0 : index
    %get3A_4 = vector.load %arg2[%get3A_2, %get3A_3] : memref<2000x256xf32, #tpu.memory_space<vmem>>, vector<2000x256xf32>
    %add3A = arith.addf %get3A_1, %get3A_4 : vector<2000x256xf32>
    %swap3A = arith.constant 0 : index
    %swap3A_5 = arith.constant 0 : index
    %swap3A_6 = vector.load %arg3[%swap3A, %swap3A_5] : memref<2000x256xf32, #tpu.memory_space<vmem>>, vector<2000x256xf32>
    tpu.vector_store %arg3[%swap3A, %swap3A_5], %add3A {strides = array<i32>} : memref<2000x256xf32, #tpu.memory_space<vmem>>, vector<2000x256xf32>,
    return
  }
  func.func @transform_0(%arg0: i32) -> (i32, i32) {
    %c0_i32 = arith.constant 0 : i32
    %c0_i32_0 = arith.constant 0 : i32
    return %arg0, %c0_i32 : i32, i32
  }
  func.func @transform_1(%arg0: i32) -> (i32, i32) {
    %c0_i32 = arith.constant 0 : i32
    %c0_i32_0 = arith.constant 0 : i32
    return %arg0, %c0_i32 : i32, i32
  }
  func.func @transform_2(%arg0: i32) -> (i32, i32) {
    %c0_i32 = arith.constant 0 : i32
    %c0_i32_0 = arith.constant 0 : i32
    return %arg0, %c0_i32 : i32, i32
  }
}

module attributes {stable_mosaic.version = 14 : i64} {
  func.func @body(%arg0: i32, %arg1: memref<1x1xi32, #tpu.memory_space<vmem>>, %arg2: memref<128x256xf32, #tpu.memory_space<vmem>>, %arg3: memref<128x256xf32, #tpu.memory_space<vmem>>, %arg4: memref<128x256xf32, #tpu.memory_space<vmem>>, %arg5: memref<2560x256xf32, #tpu.memory_space<vmem>>, %arg6: memref<2560x256xf32, #tpu.memory_space<vmem>>, %arg7: memref<2560x256xf32, #tpu.memory_space<vmem>>, %arg8: memref<2560x16xf32, #tpu.memory_space<vmem>>, %arg9: memref<2560x16xf32, #tpu.memory_space<vmem>>, %arg10: memref<2560x16xf32, #tpu.memory_space<vmem>>, %arg11: memref<128x20xi32, #tpu.memory_space<vmem>>, %arg12: memref<128x20xi32, #tpu.memory_space<vmem>>, %arg13: memref<128x20xi32, #tpu.memory_space<vmem>>, %arg14: memref<128x1xf32, #tpu.memory_space<vmem>>, %arg15: memref<128x1xf32, #tpu.memory_space<vmem>>, %arg16: memref<128x1xf32, #tpu.memory_space<vmem>>, %arg17: memref<128x20xf32, #tpu.memory_space<vmem>>, %arg18: memref<128x20xf32, #tpu.memory_space<vmem>>, %arg19: memref<128x20xf32, #tpu.memory_space<vmem>>, %arg20: memref<1x100xf32, #tpu.memory_space<vmem>>, %arg21: memref<1x100xf32, #tpu.memory_space<vmem>>, %arg22: memref<256x256xf32, #tpu.memory_space<vmem>>, %arg23: memref<100x256xf32, #tpu.memory_space<vmem>>, %arg24: memref<1x256xf32, #tpu.memory_space<vmem>>, %arg25: memref<256x256xf32, #tpu.memory_space<vmem>>, %arg26: memref<16x256xf32, #tpu.memory_space<vmem>>, %arg27: memref<100x256xf32, #tpu.memory_space<vmem>>, %arg28: memref<1x256xf32, #tpu.memory_space<vmem>>, %arg29: memref<256x256xf32, #tpu.memory_space<vmem>>, %arg30: memref<16x256xf32, #tpu.memory_space<vmem>>, %arg31: memref<100x256xf32, #tpu.memory_space<vmem>>, %arg32: memref<1x256xf32, #tpu.memory_space<vmem>>, %arg33: memref<256x256xf32, #tpu.memory_space<vmem>>, %arg34: memref<256x256xf32, #tpu.memory_space<vmem>>, %arg35: memref<1x256xf32, #tpu.memory_space<vmem>>, %arg36: memref<256x256xf32, #tpu.memory_space<vmem>>, %arg37: memref<1x256xf32, #tpu.memory_space<vmem>>, %arg38: memref<256x256xf32, #tpu.memory_space<vmem>>, %arg39: memref<1x256xf32, #tpu.memory_space<vmem>>, %arg40: memref<256x256xf32, #tpu.memory_space<vmem>>, %arg41: memref<1x256xf32, #tpu.memory_space<vmem>>, %arg42: memref<256x1xf32, #tpu.memory_space<vmem>>, %arg43: memref<1x1xf32, #tpu.memory_space<vmem>>, %arg44: memref<128x1xf32, #tpu.memory_space<vmem>>, %arg45: memref<128x1xf32, #tpu.memory_space<vmem>>) attributes {dimension_semantics = [#tpu.dimension_semantics<arbitrary>], iteration_bounds = array<i64: 16>, scalar_prefetch = 0 : i64, scratch_operands = 0 : i64, tpu.core_type = #tpu.core_type<tc>, window_params = [{pipeline_mode = #tpu.pipeline_mode<synchronous>, transform_indices = @transform_0, window_bounds = array<i64: 1, 1>}, {transform_indices = @transform_1, window_bounds = array<i64: 128, 256>}, {transform_indices = @transform_2, window_bounds = array<i64: 128, 256>}, {transform_indices = @transform_3, window_bounds = array<i64: 128, 256>}, {transform_indices = @transform_4, window_bounds = array<i64: 2560, 256>}, {transform_indices = @transform_5, window_bounds = array<i64: 2560, 256>}, {transform_indices = @transform_6, window_bounds = array<i64: 2560, 256>}, {transform_indices = @transform_7, window_bounds = array<i64: 2560, 16>}, {transform_indices = @transform_8, window_bounds = array<i64: 2560, 16>}, {transform_indices = @transform_9, window_bounds = array<i64: 2560, 16>}, {transform_indices = @transform_10, window_bounds = array<i64: 128, 20>}, {transform_indices = @transform_11, window_bounds = array<i64: 128, 20>}, {transform_indices = @transform_12, window_bounds = array<i64: 128, 20>}, {transform_indices = @transform_13, window_bounds = array<i64: 128, 1>}, {transform_indices = @transform_14, window_bounds = array<i64: 128, 1>}, {transform_indices = @transform_15, window_bounds = array<i64: 128, 1>}, {transform_indices = @transform_16, window_bounds = array<i64: 128, 20>}, {transform_indices = @transform_17, window_bounds = array<i64: 128, 20>}, {transform_indices = @transform_18, window_bounds = array<i64: 128, 20>}, {pipeline_mode = #tpu.pipeline_mode<synchronous>, transform_indices = @transform_19, window_bounds = array<i64: 1, 100>}, {pipeline_mode = #tpu.pipeline_mode<synchronous>, transform_indices = @transform_20, window_bounds = array<i64: 1, 100>}, {pipeline_mode = #tpu.pipeline_mode<synchronous>, transform_indices = @transform_21, window_bounds = array<i64: 256, 256>}, {pipeline_mode = #tpu.pipeline_mode<synchronous>, transform_indices = @transform_22, window_bounds = array<i64: 100, 256>}, {pipeline_mode = #tpu.pipeline_mode<synchronous>, transform_indices = @transform_23, window_bounds = array<i64: 1, 256>}, {pipeline_mode = #tpu.pipeline_mode<synchronous>, transform_indices = @transform_24, window_bounds = array<i64: 256, 256>}, {pipeline_mode = #tpu.pipeline_mode<synchronous>, transform_indices = @transform_25, window_bounds = array<i64: 16, 256>}, {pipeline_mode = #tpu.pipeline_mode<synchronous>, transform_indices = @transform_26, window_bounds = array<i64: 100, 256>}, {pipeline_mode = #tpu.pipeline_mode<synchronous>, transform_indices = @transform_27, window_bounds = array<i64: 1, 256>}, {pipeline_mode = #tpu.pipeline_mode<synchronous>, transform_indices = @transform_28, window_bounds = array<i64: 256, 256>}, {pipeline_mode = #tpu.pipeline_mode<synchronous>, transform_indices = @transform_29, window_bounds = array<i64: 16, 256>}, {pipeline_mode = #tpu.pipeline_mode<synchronous>, transform_indices = @transform_30, window_bounds = array<i64: 100, 256>}, {pipeline_mode = #tpu.pipeline_mode<synchronous>, transform_indices = @transform_31, window_bounds = array<i64: 1, 256>}, {pipeline_mode = #tpu.pipeline_mode<synchronous>, transform_indices = @transform_32, window_bounds = array<i64: 256, 256>}, {pipeline_mode = #tpu.pipeline_mode<synchronous>, transform_indices = @transform_33, window_bounds = array<i64: 256, 256>}, {pipeline_mode = #tpu.pipeline_mode<synchronous>, transform_indices = @transform_34, window_bounds = array<i64: 1, 256>}, {pipeline_mode = #tpu.pipeline_mode<synchronous>, transform_indices = @transform_35, window_bounds = array<i64: 256, 256>}, {pipeline_mode = #tpu.pipeline_mode<synchronous>, transform_indices = @transform_36, window_bounds = array<i64: 1, 256>}, {pipeline_mode = #tpu.pipeline_mode<synchronous>, transform_indices = @transform_37, window_bounds = array<i64: 256, 256>}, {pipeline_mode = #tpu.pipeline_mode<synchronous>, transform_indices = @transform_38, window_bounds = array<i64: 1, 256>}, {pipeline_mode = #tpu.pipeline_mode<synchronous>, transform_indices = @transform_39, window_bounds = array<i64: 256, 256>}, {pipeline_mode = #tpu.pipeline_mode<synchronous>, transform_indices = @transform_40, window_bounds = array<i64: 1, 256>}, {pipeline_mode = #tpu.pipeline_mode<synchronous>, transform_indices = @transform_41, window_bounds = array<i64: 256, 1>}, {pipeline_mode = #tpu.pipeline_mode<synchronous>, transform_indices = @transform_42, window_bounds = array<i64: 1, 1>}, {transform_indices = @transform_43, window_bounds = array<i64: 128, 1>}, {transform_indices = @transform_44, window_bounds = array<i64: 128, 1>}]} {
    %get3A = arith.constant 0 : index
    %get3A_0 = arith.constant 0 : index
    %get3A_1 = vector.load %arg1[%get3A, %get3A_0] : memref<1x1xi32, #tpu.memory_space<vmem>>, vector<1x1xi32>
    %get3A_2 = vector.extract %get3A_1[0, 0] : i32 from vector<1x1xi32>
    %get3A_3 = arith.constant 0 : index
    %get3A_4 = arith.constant 0 : index
    %get3A_5 = vector.load %arg20[%get3A_3, %get3A_4] : memref<1x100xf32, #tpu.memory_space<vmem>>, vector<1x100xf32>
    %get3A_6 = arith.constant 0 : index
    %get3A_7 = arith.constant 0 : index
    %get3A_8 = vector.load %arg21[%get3A_6, %get3A_7] : memref<1x100xf32, #tpu.memory_space<vmem>>, vector<1x100xf32>
    %cos3A = math.cos %get3A_8 : vector<1x100xf32>
    %get3A_9 = arith.constant 0 : index
    %get3A_10 = arith.constant 0 : index
    %get3A_11 = vector.load %arg23[%get3A_9, %get3A_10] : memref<100x256xf32, #tpu.memory_space<vmem>>, vector<100x256xf32>
    %dot_general3A = arith.constant dense<0.000000e+00> : vector<1x256xf32>
    %dot_general3A_12 = tpu.matmul %cos3A, %get3A_11, %dot_general3A {dimension_numbers = #tpu.dot_dimension_numbers<[1], [0], [0], [1], [0, 0, 1, 1], [], []>, transpose_lhs_hint = false} : vector<1x100xf32>, vector<100x256xf32>, vector<1x256xf32> -> vector<1x256xf32>
    %get3A_13 = arith.constant 0 : index
    %get3A_14 = arith.constant 0 : index
    %get3A_15 = vector.load %arg24[%get3A_13, %get3A_14] : memref<1x256xf32, #tpu.memory_space<vmem>>, vector<1x256xf32>
    %add3A = arith.addf %dot_general3A_12, %get3A_15 : vector<1x256xf32>
    %iota3A = tpu.iota {dimensions = array<i32: 1>} : vector<128x20xi32>
    %ge3A = vector.broadcast %get3A_2 : i32 to vector<128x20xi32>
    %ge3A_16 = arith.cmpi sge, %iota3A, %ge3A : vector<128x20xi32>
    %reshape3A = vector.shape_cast %get3A_5 : vector<1x100xf32> to vector<1x1x100xf32>
    %reshape3A_17 = vector.shape_cast %get3A_8 : vector<1x100xf32> to vector<1x1x100xf32>
    %get3A_18 = arith.constant 0 : index
    %get3A_19 = arith.constant 0 : index
    %get3A_20 = vector.load %arg2[%get3A_18, %get3A_19] : memref<128x256xf32, #tpu.memory_space<vmem>>, vector<128x256xf32>
    %get3A_21 = arith.constant 0 : index
    %get3A_22 = arith.constant 0 : index
    %get3A_23 = vector.load %arg5[%get3A_21, %get3A_22] : memref<2560x256xf32, #tpu.memory_space<vmem>>, vector<2560x256xf32>
    %get3A_24 = arith.constant 0 : index
    %get3A_25 = arith.constant 0 : index
    %get3A_26 = vector.load %arg8[%get3A_24, %get3A_25] : memref<2560x16xf32, #tpu.memory_space<vmem>>, vector<2560x16xf32>
    %get3A_27 = arith.constant 0 : index
    %get3A_28 = arith.constant 0 : index
    %get3A_29 = vector.load %arg14[%get3A_27, %get3A_28] : memref<128x1xf32, #tpu.memory_space<vmem>>, vector<128x1xf32>
    %get3A_30 = arith.constant 0 : index
    %get3A_31 = arith.constant 0 : index
    %get3A_32 = vector.load %arg17[%get3A_30, %get3A_31] : memref<128x20xf32, #tpu.memory_space<vmem>>, vector<128x20xf32>
    %sub3A = vector.broadcast %get3A_29 : vector<128x1xf32> to vector<128x20xf32>
    %sub3A_33 = arith.subf %sub3A, %get3A_32 : vector<128x20xf32>
    %broadcast_in_dim3A = vector.shape_cast %sub3A_33 : vector<128x20xf32> to vector<128x20x1xf32>
    %mul3A = vector.broadcast %broadcast_in_dim3A : vector<128x20x1xf32> to vector<128x20x100xf32>
    %mul3A_34 = vector.broadcast %reshape3A : vector<1x1x100xf32> to vector<128x20x100xf32>
    %mul3A_35 = arith.mulf %mul3A, %mul3A_34 : vector<128x20x100xf32>
    %add3A_36 = vector.broadcast %reshape3A_17 : vector<1x1x100xf32> to vector<128x20x100xf32>
    %add3A_37 = arith.addf %mul3A_35, %add3A_36 : vector<128x20x100xf32>
    %mul3A_38 = arith.mulf %add3A_37, %add3A_37 : vector<128x20x100xf32>
    %mul3A_39 = arith.constant 4.77947726E-14 : f32
    %mul3A_40 = vector.broadcast %mul3A_39 : f32 to vector<128x20x100xf32>
    %mul3A_41 = arith.mulf %mul3A_40, %mul3A_38 : vector<128x20x100xf32>
    %add3A_42 = arith.constant -1.14707454E-11 : f32
    %add3A_43 = vector.broadcast %add3A_42 : f32 to vector<128x20x100xf32>
    %add3A_44 = arith.addf %mul3A_41, %add3A_43 : vector<128x20x100xf32>
    %mul3A_45 = arith.mulf %add3A_44, %mul3A_38 : vector<128x20x100xf32>
    %add3A_46 = arith.constant 2.08767559E-9 : f32
    %add3A_47 = vector.broadcast %add3A_46 : f32 to vector<128x20x100xf32>
    %add3A_48 = arith.addf %mul3A_45, %add3A_47 : vector<128x20x100xf32>
    %mul3A_49 = arith.mulf %add3A_48, %mul3A_38 : vector<128x20x100xf32>
    %add3A_50 = arith.constant -2.755732E-7 : f32
    %add3A_51 = vector.broadcast %add3A_50 : f32 to vector<128x20x100xf32>
    %add3A_52 = arith.addf %mul3A_49, %add3A_51 : vector<128x20x100xf32>
    %mul3A_53 = arith.mulf %add3A_52, %mul3A_38 : vector<128x20x100xf32>
    %add3A_54 = arith.constant 2.48015876E-5 : f32
    %add3A_55 = vector.broadcast %add3A_54 : f32 to vector<128x20x100xf32>
    %add3A_56 = arith.addf %mul3A_53, %add3A_55 : vector<128x20x100xf32>
    %mul3A_57 = arith.mulf %add3A_56, %mul3A_38 : vector<128x20x100xf32>
    %add3A_58 = arith.constant -0.00138888892 : f32
    %add3A_59 = vector.broadcast %add3A_58 : f32 to vector<128x20x100xf32>
    %add3A_60 = arith.addf %mul3A_57, %add3A_59 : vector<128x20x100xf32>
    %mul3A_61 = arith.mulf %add3A_60, %mul3A_38 : vector<128x20x100xf32>
    %add3A_62 = arith.constant 0.0416666679 : f32
    %add3A_63 = vector.broadcast %add3A_62 : f32 to vector<128x20x100xf32>
    %add3A_64 = arith.addf %mul3A_61, %add3A_63 : vector<128x20x100xf32>
    %mul3A_65 = arith.mulf %add3A_64, %mul3A_38 : vector<128x20x100xf32>
    %add3A_66 = arith.constant -5.000000e-01 : f32
    %add3A_67 = vector.broadcast %add3A_66 : f32 to vector<128x20x100xf32>
    %add3A_68 = arith.addf %mul3A_65, %add3A_67 : vector<128x20x100xf32>
    %mul3A_69 = arith.mulf %add3A_68, %mul3A_38 : vector<128x20x100xf32>
    %add3A_70 = arith.constant 1.000000e+00 : f32
    %add3A_71 = vector.broadcast %add3A_70 : f32 to vector<128x20x100xf32>
    %add3A_72 = arith.addf %mul3A_69, %add3A_71 : vector<128x20x100xf32>
    %reshape3A_73 = vector.shape_cast %add3A_72 : vector<128x20x100xf32> to vector<2560x100xf32>
    %convert_element_type3A = arith.truncf %reshape3A_73 : vector<2560x100xf32> to vector<2560x100xbf16>
    %convert_element_type3A_74 = arith.truncf %get3A_23 : vector<2560x256xf32> to vector<2560x256xbf16>
    %convert_element_type3A_75 = arith.truncf %get3A_26 : vector<2560x16xf32> to vector<2560x16xbf16>
    %get3A_76 = arith.constant 0 : index
    %get3A_77 = arith.constant 0 : index
    %get3A_78 = vector.load %arg25[%get3A_76, %get3A_77] : memref<256x256xf32, #tpu.memory_space<vmem>>, vector<256x256xf32>
    %convert_element_type3A_79 = arith.truncf %get3A_78 : vector<256x256xf32> to vector<256x256xbf16>
    %dot_general3A_80 = arith.constant dense<0.000000e+00> : vector<2560x256xf32>
    %dot_general3A_81 = tpu.matmul %convert_element_type3A_74, %convert_element_type3A_79, %dot_general3A_80 {dimension_numbers = #tpu.dot_dimension_numbers<[1], [0], [0], [1], [0, 0, 1, 1], [], []>, transpose_lhs_hint = false} : vector<2560x256xbf16>, vector<256x256xbf16>, vector<2560x256xf32> -> vector<2560x256xf32>
    %get3A_82 = arith.constant 0 : index
    %get3A_83 = arith.constant 0 : index
    %get3A_84 = vector.load %arg26[%get3A_82, %get3A_83] : memref<16x256xf32, #tpu.memory_space<vmem>>, vector<16x256xf32>
    %convert_element_type3A_85 = arith.truncf %get3A_84 : vector<16x256xf32> to vector<16x256xbf16>
    %dot_general3A_86 = arith.constant dense<0.000000e+00> : vector<2560x256xf32>
    %dot_general3A_87 = tpu.matmul %convert_element_type3A_75, %convert_element_type3A_85, %dot_general3A_86 {dimension_numbers = #tpu.dot_dimension_numbers<[1], [0], [0], [1], [0, 0, 1, 1], [], []>, transpose_lhs_hint = false} : vector<2560x16xbf16>, vector<16x256xbf16>, vector<2560x256xf32> -> vector<2560x256xf32>
    %add3A_88 = arith.addf %dot_general3A_81, %dot_general3A_87 : vector<2560x256xf32>
    %get3A_89 = arith.constant 0 : index
    %get3A_90 = arith.constant 0 : index
    %get3A_91 = vector.load %arg27[%get3A_89, %get3A_90] : memref<100x256xf32, #tpu.memory_space<vmem>>, vector<100x256xf32>
    %convert_element_type3A_92 = arith.truncf %get3A_91 : vector<100x256xf32> to vector<100x256xbf16>
    %dot_general3A_93 = arith.constant dense<0.000000e+00> : vector<2560x256xf32>
    %dot_general3A_94 = tpu.matmul %convert_element_type3A, %convert_element_type3A_92, %dot_general3A_93 {dimension_numbers = #tpu.dot_dimension_numbers<[1], [0], [0], [1], [0, 0, 1, 1], [], []>, transpose_lhs_hint = false} : vector<2560x100xbf16>, vector<100x256xbf16>, vector<2560x256xf32> -> vector<2560x256xf32>
    %add3A_95 = arith.addf %add3A_88, %dot_general3A_94 : vector<2560x256xf32>
    %get3A_96 = arith.constant 0 : index
    %get3A_97 = arith.constant 0 : index
    %get3A_98 = vector.load %arg28[%get3A_96, %get3A_97] : memref<1x256xf32, #tpu.memory_space<vmem>>, vector<1x256xf32>
    %add3A_99 = vector.broadcast %get3A_98 : vector<1x256xf32> to vector<2560x256xf32>
    %add3A_100 = arith.addf %add3A_95, %add3A_99 : vector<2560x256xf32>
    %get3A_101 = arith.constant 0 : index
    %get3A_102 = arith.constant 0 : index
    %get3A_103 = vector.load %arg29[%get3A_101, %get3A_102] : memref<256x256xf32, #tpu.memory_space<vmem>>, vector<256x256xf32>
    %convert_element_type3A_104 = arith.truncf %get3A_103 : vector<256x256xf32> to vector<256x256xbf16>
    %dot_general3A_105 = arith.constant dense<0.000000e+00> : vector<2560x256xf32>
    %dot_general3A_106 = tpu.matmul %convert_element_type3A_74, %convert_element_type3A_104, %dot_general3A_105 {dimension_numbers = #tpu.dot_dimension_numbers<[1], [0], [0], [1], [0, 0, 1, 1], [], []>, transpose_lhs_hint = false} : vector<2560x256xbf16>, vector<256x256xbf16>, vector<2560x256xf32> -> vector<2560x256xf32>
    %get3A_107 = arith.constant 0 : index
    %get3A_108 = arith.constant 0 : index
    %get3A_109 = vector.load %arg30[%get3A_107, %get3A_108] : memref<16x256xf32, #tpu.memory_space<vmem>>, vector<16x256xf32>
    %convert_element_type3A_110 = arith.truncf %get3A_109 : vector<16x256xf32> to vector<16x256xbf16>
    %dot_general3A_111 = arith.constant dense<0.000000e+00> : vector<2560x256xf32>
    %dot_general3A_112 = tpu.matmul %convert_element_type3A_75, %convert_element_type3A_110, %dot_general3A_111 {dimension_numbers = #tpu.dot_dimension_numbers<[1], [0], [0], [1], [0, 0, 1, 1], [], []>, transpose_lhs_hint = false} : vector<2560x16xbf16>, vector<16x256xbf16>, vector<2560x256xf32> -> vector<2560x256xf32>
    %add3A_113 = arith.addf %dot_general3A_106, %dot_general3A_112 : vector<2560x256xf32>
    %get3A_114 = arith.constant 0 : index
    %get3A_115 = arith.constant 0 : index
    %get3A_116 = vector.load %arg31[%get3A_114, %get3A_115] : memref<100x256xf32, #tpu.memory_space<vmem>>, vector<100x256xf32>
    %convert_element_type3A_117 = arith.truncf %get3A_116 : vector<100x256xf32> to vector<100x256xbf16>
    %dot_general3A_118 = arith.constant dense<0.000000e+00> : vector<2560x256xf32>
    %dot_general3A_119 = tpu.matmul %convert_element_type3A, %convert_element_type3A_117, %dot_general3A_118 {dimension_numbers = #tpu.dot_dimension_numbers<[1], [0], [0], [1], [0, 0, 1, 1], [], []>, transpose_lhs_hint = false} : vector<2560x100xbf16>, vector<100x256xbf16>, vector<2560x256xf32> -> vector<2560x256xf32>
    %add3A_120 = arith.addf %add3A_113, %dot_general3A_119 : vector<2560x256xf32>
    %get3A_121 = arith.constant 0 : index
    %get3A_122 = arith.constant 0 : index
    %get3A_123 = vector.load %arg32[%get3A_121, %get3A_122] : memref<1x256xf32, #tpu.memory_space<vmem>>, vector<1x256xf32>
    %add3A_124 = vector.broadcast %get3A_123 : vector<1x256xf32> to vector<2560x256xf32>
    %add3A_125 = arith.addf %add3A_120, %add3A_124 : vector<2560x256xf32>
    %get3A_126 = arith.constant 0 : index
    %get3A_127 = arith.constant 0 : index
    %get3A_128 = vector.load %arg22[%get3A_126, %get3A_127] : memref<256x256xf32, #tpu.memory_space<vmem>>, vector<256x256xf32>
    %dot_general3A_129 = arith.constant dense<0.000000e+00> : vector<128x256xf32>
    %dot_general3A_130 = tpu.matmul %get3A_20, %get3A_128, %dot_general3A_129 {dimension_numbers = #tpu.dot_dimension_numbers<[1], [0], [0], [1], [0, 0, 1, 1], [], []>, transpose_lhs_hint = false} : vector<128x256xf32>, vector<256x256xf32>, vector<128x256xf32> -> vector<128x256xf32>
    %add3A_131 = vector.broadcast %add3A : vector<1x256xf32> to vector<128x256xf32>
    %add3A_132 = arith.addf %dot_general3A_130, %add3A_131 : vector<128x256xf32>
    %mul3A_133 = arith.constant 0.0883883461 : f32
    %mul3A_134 = vector.broadcast %mul3A_133 : f32 to vector<128x256xf32>
    %mul3A_135 = arith.mulf %add3A_132, %mul3A_134 : vector<128x256xf32>
    %reshape3A_136 = vector.shape_cast %add3A_100 : vector<2560x256xf32> to vector<128x20x256xf32>
    %reshape3A_137 = vector.shape_cast %add3A_125 : vector<2560x256xf32> to vector<128x20x256xf32>
    %broadcast_in_dim3A_138 = vector.shape_cast %mul3A_135 : vector<128x256xf32> to vector<128x1x256xf32>
    %mul3A_139 = vector.broadcast %broadcast_in_dim3A_138 : vector<128x1x256xf32> to vector<128x20x256xf32>
    %mul3A_140 = arith.mulf %reshape3A_136, %mul3A_139 : vector<128x20x256xf32>
    %get3A_141 = arith.constant 0 : index
    %get3A_142 = arith.constant 0 : index
    %get3A_143 = vector.load %arg11[%get3A_141, %get3A_142] : memref<128x20xi32, #tpu.memory_space<vmem>>, vector<128x20xi32>
    %eq3A = arith.constant 0 : i32
    %eq3A_144 = vector.broadcast %eq3A : i32 to vector<128x20xi32>
    %eq3A_145 = arith.cmpi eq, %get3A_143, %eq3A_144 : vector<128x20xi32>
    %or3A = arith.ori %eq3A_145, %ge3A_16 : vector<128x20xi1>
    %slice3A = vector.extract_strided_slice %mul3A_140 {offsets = [0, 0, 0], sizes = [128, 20, 128], strides = [1, 1, 1]} : vector<128x20x256xf32> to vector<128x20x128xf32>
    %reduce_sum3A = arith.constant dense<0.000000e+00> : vector<128x20xf32>
    %reduce_sum3A_146 = vector.multi_reduction <add>, %slice3A, %reduce_sum3A [2] : vector<128x20x128xf32> to vector<128x20xf32>
    %jit3A = arith.constant -1.000000e+09 : f32
    %broadcast_in_dim3A_147 = vector.broadcast %jit3A : f32 to vector<128x20xf32>
    %select_n3A = arith.select %or3A, %broadcast_in_dim3A_147, %reduce_sum3A_146 : vector<128x20xi1>, vector<128x20xf32>
    %reduce_max3A = arith.constant dense<0xFF800000> : vector<128xf32>
    %reduce_max3A_148 = vector.multi_reduction <maximumf>, %select_n3A, %reduce_max3A [1] : vector<128x20xf32> to vector<128xf32>
    %broadcast_in_dim3A_149 = vector.shape_cast %reduce_max3A_148 : vector<128xf32> to vector<128x1xf32>
    %sub3A_150 = vector.broadcast %broadcast_in_dim3A_149 : vector<128x1xf32> to vector<128x20xf32>
    %sub3A_151 = arith.subf %select_n3A, %sub3A_150 : vector<128x20xf32>
    %exp3A = math.exp %sub3A_151 : vector<128x20xf32>
    %reduce_sum3A_152 = arith.constant dense<0.000000e+00> : vector<128xf32>
    %reduce_sum3A_153 = vector.multi_reduction <add>, %exp3A, %reduce_sum3A_152 [1] : vector<128x20xf32> to vector<128xf32>
    %broadcast_in_dim3A_154 = vector.shape_cast %reduce_sum3A_153 : vector<128xf32> to vector<128x1xf32>
    %div3A = vector.broadcast %broadcast_in_dim3A_154 : vector<128x1xf32> to vector<128x20xf32>
    %div3A_155 = arith.divf %exp3A, %div3A : vector<128x20xf32>
    %broadcast_in_dim3A_156 = vector.shape_cast %div3A_155 : vector<128x20xf32> to vector<128x20x1xf32>
    %slice3A_157 = vector.extract_strided_slice %reshape3A_137 {offsets = [0, 0, 0], sizes = [128, 20, 128], strides = [1, 1, 1]} : vector<128x20x256xf32> to vector<128x20x128xf32>
    %mul3A_158 = vector.broadcast %broadcast_in_dim3A_156 : vector<128x20x1xf32> to vector<128x20x128xf32>
    %mul3A_159 = arith.mulf %mul3A_158, %slice3A_157 : vector<128x20x128xf32>
    %reduce_sum3A_160 = arith.constant dense<0.000000e+00> : vector<128x128xf32>
    %reduce_sum3A_161 = vector.multi_reduction <add>, %mul3A_159, %reduce_sum3A_160 [1] : vector<128x20x128xf32> to vector<128x128xf32>
    %slice3A_162 = vector.extract_strided_slice %mul3A_140 {offsets = [0, 0, 128], sizes = [128, 20, 128], strides = [1, 1, 1]} : vector<128x20x256xf32> to vector<128x20x128xf32>
    %reduce_sum3A_163 = arith.constant dense<0.000000e+00> : vector<128x20xf32>
    %reduce_sum3A_164 = vector.multi_reduction <add>, %slice3A_162, %reduce_sum3A_163 [2] : vector<128x20x128xf32> to vector<128x20xf32>
    %jit3A_165 = arith.constant -1.000000e+09 : f32
    %broadcast_in_dim3A_166 = vector.broadcast %jit3A_165 : f32 to vector<128x20xf32>
    %select_n3A_167 = arith.select %or3A, %broadcast_in_dim3A_166, %reduce_sum3A_164 : vector<128x20xi1>, vector<128x20xf32>
    %reduce_max3A_168 = arith.constant dense<0xFF800000> : vector<128xf32>
    %reduce_max3A_169 = vector.multi_reduction <maximumf>, %select_n3A_167, %reduce_max3A_168 [1] : vector<128x20xf32> to vector<128xf32>
    %broadcast_in_dim3A_170 = vector.shape_cast %reduce_max3A_169 : vector<128xf32> to vector<128x1xf32>
    %sub3A_171 = vector.broadcast %broadcast_in_dim3A_170 : vector<128x1xf32> to vector<128x20xf32>
    %sub3A_172 = arith.subf %select_n3A_167, %sub3A_171 : vector<128x20xf32>
    %exp3A_173 = math.exp %sub3A_172 : vector<128x20xf32>
    %reduce_sum3A_174 = arith.constant dense<0.000000e+00> : vector<128xf32>
    %reduce_sum3A_175 = vector.multi_reduction <add>, %exp3A_173, %reduce_sum3A_174 [1] : vector<128x20xf32> to vector<128xf32>
    %broadcast_in_dim3A_176 = vector.shape_cast %reduce_sum3A_175 : vector<128xf32> to vector<128x1xf32>
    %div3A_177 = vector.broadcast %broadcast_in_dim3A_176 : vector<128x1xf32> to vector<128x20xf32>
    %div3A_178 = arith.divf %exp3A_173, %div3A_177 : vector<128x20xf32>
    %broadcast_in_dim3A_179 = vector.shape_cast %div3A_178 : vector<128x20xf32> to vector<128x20x1xf32>
    %slice3A_180 = vector.extract_strided_slice %reshape3A_137 {offsets = [0, 0, 128], sizes = [128, 20, 128], strides = [1, 1, 1]} : vector<128x20x256xf32> to vector<128x20x128xf32>
    %mul3A_181 = vector.broadcast %broadcast_in_dim3A_179 : vector<128x20x1xf32> to vector<128x20x128xf32>
    %mul3A_182 = arith.mulf %mul3A_181, %slice3A_180 : vector<128x20x128xf32>
    %reduce_sum3A_183 = arith.constant dense<0.000000e+00> : vector<128x128xf32>
    %reduce_sum3A_184 = vector.multi_reduction <add>, %mul3A_182, %reduce_sum3A_183 [1] : vector<128x20x128xf32> to vector<128x128xf32>
    %concatenate3A = tpu.concatenate %reduce_sum3A_161, %reduce_sum3A_184 in 1 : vector<128x128xf32>, vector<128x128xf32> -> vector<128x256xf32>
    %get3A_185 = arith.constant 0 : index
    %get3A_186 = arith.constant 0 : index
    %get3A_187 = vector.load %arg33[%get3A_185, %get3A_186] : memref<256x256xf32, #tpu.memory_space<vmem>>, vector<256x256xf32>
    %dot_general3A_188 = arith.constant dense<0.000000e+00> : vector<128x256xf32>
    %dot_general3A_189 = tpu.matmul %concatenate3A, %get3A_187, %dot_general3A_188 {dimension_numbers = #tpu.dot_dimension_numbers<[1], [0], [0], [1], [0, 0, 1, 1], [], []>, transpose_lhs_hint = false} : vector<128x256xf32>, vector<256x256xf32>, vector<128x256xf32> -> vector<128x256xf32>
    %get3A_190 = arith.constant 0 : index
    %get3A_191 = arith.constant 0 : index
    %get3A_192 = vector.load %arg34[%get3A_190, %get3A_191] : memref<256x256xf32, #tpu.memory_space<vmem>>, vector<256x256xf32>
    %dot_general3A_193 = arith.constant dense<0.000000e+00> : vector<128x256xf32>
    %dot_general3A_194 = tpu.matmul %get3A_20, %get3A_192, %dot_general3A_193 {dimension_numbers = #tpu.dot_dimension_numbers<[1], [0], [0], [1], [0, 0, 1, 1], [], []>, transpose_lhs_hint = false} : vector<128x256xf32>, vector<256x256xf32>, vector<128x256xf32> -> vector<128x256xf32>
    %add3A_195 = arith.addf %dot_general3A_189, %dot_general3A_194 : vector<128x256xf32>
    %get3A_196 = arith.constant 0 : index
    %get3A_197 = arith.constant 0 : index
    %get3A_198 = vector.load %arg35[%get3A_196, %get3A_197] : memref<1x256xf32, #tpu.memory_space<vmem>>, vector<1x256xf32>
    %add3A_199 = vector.broadcast %get3A_198 : vector<1x256xf32> to vector<128x256xf32>
    %add3A_200 = arith.addf %add3A_195, %add3A_199 : vector<128x256xf32>
    %max3A = arith.constant 0.000000e+00 : f32
    %max3A_201 = vector.broadcast %max3A : f32 to vector<128x256xf32>
    %max3A_202 = arith.maximumf %add3A_200, %max3A_201 : vector<128x256xf32>
    %get3A_203 = arith.constant 0 : index
    %get3A_204 = arith.constant 0 : index
    %get3A_205 = vector.load %arg36[%get3A_203, %get3A_204] : memref<256x256xf32, #tpu.memory_space<vmem>>, vector<256x256xf32>
    %dot_general3A_206 = arith.constant dense<0.000000e+00> : vector<128x256xf32>
    %dot_general3A_207 = tpu.matmul %max3A_202, %get3A_205, %dot_general3A_206 {dimension_numbers = #tpu.dot_dimension_numbers<[1], [0], [0], [1], [0, 0, 1, 1], [], []>, transpose_lhs_hint = false} : vector<128x256xf32>, vector<256x256xf32>, vector<128x256xf32> -> vector<128x256xf32>
    %get3A_208 = arith.constant 0 : index
    %get3A_209 = arith.constant 0 : index
    %get3A_210 = vector.load %arg37[%get3A_208, %get3A_209] : memref<1x256xf32, #tpu.memory_space<vmem>>, vector<1x256xf32>
    %add3A_211 = vector.broadcast %get3A_210 : vector<1x256xf32> to vector<128x256xf32>
    %add3A_212 = arith.addf %dot_general3A_207, %add3A_211 : vector<128x256xf32>
    %get3A_213 = arith.constant 0 : index
    %get3A_214 = arith.constant 0 : index
    %get3A_215 = vector.load %arg3[%get3A_213, %get3A_214] : memref<128x256xf32, #tpu.memory_space<vmem>>, vector<128x256xf32>
    %get3A_216 = arith.constant 0 : index
    %get3A_217 = arith.constant 0 : index
    %get3A_218 = vector.load %arg6[%get3A_216, %get3A_217] : memref<2560x256xf32, #tpu.memory_space<vmem>>, vector<2560x256xf32>
    %get3A_219 = arith.constant 0 : index
    %get3A_220 = arith.constant 0 : index
    %get3A_221 = vector.load %arg9[%get3A_219, %get3A_220] : memref<2560x16xf32, #tpu.memory_space<vmem>>, vector<2560x16xf32>
    %get3A_222 = arith.constant 0 : index
    %get3A_223 = arith.constant 0 : index
    %get3A_224 = vector.load %arg15[%get3A_222, %get3A_223] : memref<128x1xf32, #tpu.memory_space<vmem>>, vector<128x1xf32>
    %get3A_225 = arith.constant 0 : index
    %get3A_226 = arith.constant 0 : index
    %get3A_227 = vector.load %arg18[%get3A_225, %get3A_226] : memref<128x20xf32, #tpu.memory_space<vmem>>, vector<128x20xf32>
    %sub3A_228 = vector.broadcast %get3A_224 : vector<128x1xf32> to vector<128x20xf32>
    %sub3A_229 = arith.subf %sub3A_228, %get3A_227 : vector<128x20xf32>
    %broadcast_in_dim3A_230 = vector.shape_cast %sub3A_229 : vector<128x20xf32> to vector<128x20x1xf32>
    %mul3A_231 = vector.broadcast %broadcast_in_dim3A_230 : vector<128x20x1xf32> to vector<128x20x100xf32>
    %mul3A_232 = vector.broadcast %reshape3A : vector<1x1x100xf32> to vector<128x20x100xf32>
    %mul3A_233 = arith.mulf %mul3A_231, %mul3A_232 : vector<128x20x100xf32>
    %add3A_234 = vector.broadcast %reshape3A_17 : vector<1x1x100xf32> to vector<128x20x100xf32>
    %add3A_235 = arith.addf %mul3A_233, %add3A_234 : vector<128x20x100xf32>
    %mul3A_236 = arith.mulf %add3A_235, %add3A_235 : vector<128x20x100xf32>
    %mul3A_237 = arith.constant 4.77947726E-14 : f32
    %mul3A_238 = vector.broadcast %mul3A_237 : f32 to vector<128x20x100xf32>
    %mul3A_239 = arith.mulf %mul3A_238, %mul3A_236 : vector<128x20x100xf32>
    %add3A_240 = arith.constant -1.14707454E-11 : f32
    %add3A_241 = vector.broadcast %add3A_240 : f32 to vector<128x20x100xf32>
    %add3A_242 = arith.addf %mul3A_239, %add3A_241 : vector<128x20x100xf32>
    %mul3A_243 = arith.mulf %add3A_242, %mul3A_236 : vector<128x20x100xf32>
    %add3A_244 = arith.constant 2.08767559E-9 : f32
    %add3A_245 = vector.broadcast %add3A_244 : f32 to vector<128x20x100xf32>
    %add3A_246 = arith.addf %mul3A_243, %add3A_245 : vector<128x20x100xf32>
    %mul3A_247 = arith.mulf %add3A_246, %mul3A_236 : vector<128x20x100xf32>
    %add3A_248 = arith.constant -2.755732E-7 : f32
    %add3A_249 = vector.broadcast %add3A_248 : f32 to vector<128x20x100xf32>
    %add3A_250 = arith.addf %mul3A_247, %add3A_249 : vector<128x20x100xf32>
    %mul3A_251 = arith.mulf %add3A_250, %mul3A_236 : vector<128x20x100xf32>
    %add3A_252 = arith.constant 2.48015876E-5 : f32
    %add3A_253 = vector.broadcast %add3A_252 : f32 to vector<128x20x100xf32>
    %add3A_254 = arith.addf %mul3A_251, %add3A_253 : vector<128x20x100xf32>
    %mul3A_255 = arith.mulf %add3A_254, %mul3A_236 : vector<128x20x100xf32>
    %add3A_256 = arith.constant -0.00138888892 : f32
    %add3A_257 = vector.broadcast %add3A_256 : f32 to vector<128x20x100xf32>
    %add3A_258 = arith.addf %mul3A_255, %add3A_257 : vector<128x20x100xf32>
    %mul3A_259 = arith.mulf %add3A_258, %mul3A_236 : vector<128x20x100xf32>
    %add3A_260 = arith.constant 0.0416666679 : f32
    %add3A_261 = vector.broadcast %add3A_260 : f32 to vector<128x20x100xf32>
    %add3A_262 = arith.addf %mul3A_259, %add3A_261 : vector<128x20x100xf32>
    %mul3A_263 = arith.mulf %add3A_262, %mul3A_236 : vector<128x20x100xf32>
    %add3A_264 = arith.constant -5.000000e-01 : f32
    %add3A_265 = vector.broadcast %add3A_264 : f32 to vector<128x20x100xf32>
    %add3A_266 = arith.addf %mul3A_263, %add3A_265 : vector<128x20x100xf32>
    %mul3A_267 = arith.mulf %add3A_266, %mul3A_236 : vector<128x20x100xf32>
    %add3A_268 = arith.constant 1.000000e+00 : f32
    %add3A_269 = vector.broadcast %add3A_268 : f32 to vector<128x20x100xf32>
    %add3A_270 = arith.addf %mul3A_267, %add3A_269 : vector<128x20x100xf32>
    %reshape3A_271 = vector.shape_cast %add3A_270 : vector<128x20x100xf32> to vector<2560x100xf32>
    %convert_element_type3A_272 = arith.truncf %reshape3A_271 : vector<2560x100xf32> to vector<2560x100xbf16>
    %convert_element_type3A_273 = arith.truncf %get3A_218 : vector<2560x256xf32> to vector<2560x256xbf16>
    %convert_element_type3A_274 = arith.truncf %get3A_221 : vector<2560x16xf32> to vector<2560x16xbf16>
    %get3A_275 = arith.constant 0 : index
    %get3A_276 = arith.constant 0 : index
    %get3A_277 = vector.load %arg25[%get3A_275, %get3A_276] : memref<256x256xf32, #tpu.memory_space<vmem>>, vector<256x256xf32>
    %convert_element_type3A_278 = arith.truncf %get3A_277 : vector<256x256xf32> to vector<256x256xbf16>
    %dot_general3A_279 = arith.constant dense<0.000000e+00> : vector<2560x256xf32>
    %dot_general3A_280 = tpu.matmul %convert_element_type3A_273, %convert_element_type3A_278, %dot_general3A_279 {dimension_numbers = #tpu.dot_dimension_numbers<[1], [0], [0], [1], [0, 0, 1, 1], [], []>, transpose_lhs_hint = false} : vector<2560x256xbf16>, vector<256x256xbf16>, vector<2560x256xf32> -> vector<2560x256xf32>
    %get3A_281 = arith.constant 0 : index
    %get3A_282 = arith.constant 0 : index
    %get3A_283 = vector.load %arg26[%get3A_281, %get3A_282] : memref<16x256xf32, #tpu.memory_space<vmem>>, vector<16x256xf32>
    %convert_element_type3A_284 = arith.truncf %get3A_283 : vector<16x256xf32> to vector<16x256xbf16>
    %dot_general3A_285 = arith.constant dense<0.000000e+00> : vector<2560x256xf32>
    %dot_general3A_286 = tpu.matmul %convert_element_type3A_274, %convert_element_type3A_284, %dot_general3A_285 {dimension_numbers = #tpu.dot_dimension_numbers<[1], [0], [0], [1], [0, 0, 1, 1], [], []>, transpose_lhs_hint = false} : vector<2560x16xbf16>, vector<16x256xbf16>, vector<2560x256xf32> -> vector<2560x256xf32>
    %add3A_287 = arith.addf %dot_general3A_280, %dot_general3A_286 : vector<2560x256xf32>
    %get3A_288 = arith.constant 0 : index
    %get3A_289 = arith.constant 0 : index
    %get3A_290 = vector.load %arg27[%get3A_288, %get3A_289] : memref<100x256xf32, #tpu.memory_space<vmem>>, vector<100x256xf32>
    %convert_element_type3A_291 = arith.truncf %get3A_290 : vector<100x256xf32> to vector<100x256xbf16>
    %dot_general3A_292 = arith.constant dense<0.000000e+00> : vector<2560x256xf32>
    %dot_general3A_293 = tpu.matmul %convert_element_type3A_272, %convert_element_type3A_291, %dot_general3A_292 {dimension_numbers = #tpu.dot_dimension_numbers<[1], [0], [0], [1], [0, 0, 1, 1], [], []>, transpose_lhs_hint = false} : vector<2560x100xbf16>, vector<100x256xbf16>, vector<2560x256xf32> -> vector<2560x256xf32>
    %add3A_294 = arith.addf %add3A_287, %dot_general3A_293 : vector<2560x256xf32>
    %get3A_295 = arith.constant 0 : index
    %get3A_296 = arith.constant 0 : index
    %get3A_297 = vector.load %arg28[%get3A_295, %get3A_296] : memref<1x256xf32, #tpu.memory_space<vmem>>, vector<1x256xf32>
    %add3A_298 = vector.broadcast %get3A_297 : vector<1x256xf32> to vector<2560x256xf32>
    %add3A_299 = arith.addf %add3A_294, %add3A_298 : vector<2560x256xf32>
    %get3A_300 = arith.constant 0 : index
    %get3A_301 = arith.constant 0 : index
    %get3A_302 = vector.load %arg29[%get3A_300, %get3A_301] : memref<256x256xf32, #tpu.memory_space<vmem>>, vector<256x256xf32>
    %convert_element_type3A_303 = arith.truncf %get3A_302 : vector<256x256xf32> to vector<256x256xbf16>
    %dot_general3A_304 = arith.constant dense<0.000000e+00> : vector<2560x256xf32>
    %dot_general3A_305 = tpu.matmul %convert_element_type3A_273, %convert_element_type3A_303, %dot_general3A_304 {dimension_numbers = #tpu.dot_dimension_numbers<[1], [0], [0], [1], [0, 0, 1, 1], [], []>, transpose_lhs_hint = false} : vector<2560x256xbf16>, vector<256x256xbf16>, vector<2560x256xf32> -> vector<2560x256xf32>
    %get3A_306 = arith.constant 0 : index
    %get3A_307 = arith.constant 0 : index
    %get3A_308 = vector.load %arg30[%get3A_306, %get3A_307] : memref<16x256xf32, #tpu.memory_space<vmem>>, vector<16x256xf32>
    %convert_element_type3A_309 = arith.truncf %get3A_308 : vector<16x256xf32> to vector<16x256xbf16>
    %dot_general3A_310 = arith.constant dense<0.000000e+00> : vector<2560x256xf32>
    %dot_general3A_311 = tpu.matmul %convert_element_type3A_274, %convert_element_type3A_309, %dot_general3A_310 {dimension_numbers = #tpu.dot_dimension_numbers<[1], [0], [0], [1], [0, 0, 1, 1], [], []>, transpose_lhs_hint = false} : vector<2560x16xbf16>, vector<16x256xbf16>, vector<2560x256xf32> -> vector<2560x256xf32>
    %add3A_312 = arith.addf %dot_general3A_305, %dot_general3A_311 : vector<2560x256xf32>
    %get3A_313 = arith.constant 0 : index
    %get3A_314 = arith.constant 0 : index
    %get3A_315 = vector.load %arg31[%get3A_313, %get3A_314] : memref<100x256xf32, #tpu.memory_space<vmem>>, vector<100x256xf32>
    %convert_element_type3A_316 = arith.truncf %get3A_315 : vector<100x256xf32> to vector<100x256xbf16>
    %dot_general3A_317 = arith.constant dense<0.000000e+00> : vector<2560x256xf32>
    %dot_general3A_318 = tpu.matmul %convert_element_type3A_272, %convert_element_type3A_316, %dot_general3A_317 {dimension_numbers = #tpu.dot_dimension_numbers<[1], [0], [0], [1], [0, 0, 1, 1], [], []>, transpose_lhs_hint = false} : vector<2560x100xbf16>, vector<100x256xbf16>, vector<2560x256xf32> -> vector<2560x256xf32>
    %add3A_319 = arith.addf %add3A_312, %dot_general3A_318 : vector<2560x256xf32>
    %get3A_320 = arith.constant 0 : index
    %get3A_321 = arith.constant 0 : index
    %get3A_322 = vector.load %arg32[%get3A_320, %get3A_321] : memref<1x256xf32, #tpu.memory_space<vmem>>, vector<1x256xf32>
    %add3A_323 = vector.broadcast %get3A_322 : vector<1x256xf32> to vector<2560x256xf32>
    %add3A_324 = arith.addf %add3A_319, %add3A_323 : vector<2560x256xf32>
    %get3A_325 = arith.constant 0 : index
    %get3A_326 = arith.constant 0 : index
    %get3A_327 = vector.load %arg22[%get3A_325, %get3A_326] : memref<256x256xf32, #tpu.memory_space<vmem>>, vector<256x256xf32>
    %dot_general3A_328 = arith.constant dense<0.000000e+00> : vector<128x256xf32>
    %dot_general3A_329 = tpu.matmul %get3A_215, %get3A_327, %dot_general3A_328 {dimension_numbers = #tpu.dot_dimension_numbers<[1], [0], [0], [1], [0, 0, 1, 1], [], []>, transpose_lhs_hint = false} : vector<128x256xf32>, vector<256x256xf32>, vector<128x256xf32> -> vector<128x256xf32>
    %add3A_330 = vector.broadcast %add3A : vector<1x256xf32> to vector<128x256xf32>
    %add3A_331 = arith.addf %dot_general3A_329, %add3A_330 : vector<128x256xf32>
    %mul3A_332 = arith.constant 0.0883883461 : f32
    %mul3A_333 = vector.broadcast %mul3A_332 : f32 to vector<128x256xf32>
    %mul3A_334 = arith.mulf %add3A_331, %mul3A_333 : vector<128x256xf32>
    %reshape3A_335 = vector.shape_cast %add3A_299 : vector<2560x256xf32> to vector<128x20x256xf32>
    %reshape3A_336 = vector.shape_cast %add3A_324 : vector<2560x256xf32> to vector<128x20x256xf32>
    %broadcast_in_dim3A_337 = vector.shape_cast %mul3A_334 : vector<128x256xf32> to vector<128x1x256xf32>
    %mul3A_338 = vector.broadcast %broadcast_in_dim3A_337 : vector<128x1x256xf32> to vector<128x20x256xf32>
    %mul3A_339 = arith.mulf %reshape3A_335, %mul3A_338 : vector<128x20x256xf32>
    %get3A_340 = arith.constant 0 : index
    %get3A_341 = arith.constant 0 : index
    %get3A_342 = vector.load %arg12[%get3A_340, %get3A_341] : memref<128x20xi32, #tpu.memory_space<vmem>>, vector<128x20xi32>
    %eq3A_343 = arith.constant 0 : i32
    %eq3A_344 = vector.broadcast %eq3A_343 : i32 to vector<128x20xi32>
    %eq3A_345 = arith.cmpi eq, %get3A_342, %eq3A_344 : vector<128x20xi32>
    %or3A_346 = arith.ori %eq3A_345, %ge3A_16 : vector<128x20xi1>
    %slice3A_347 = vector.extract_strided_slice %mul3A_339 {offsets = [0, 0, 0], sizes = [128, 20, 128], strides = [1, 1, 1]} : vector<128x20x256xf32> to vector<128x20x128xf32>
    %reduce_sum3A_348 = arith.constant dense<0.000000e+00> : vector<128x20xf32>
    %reduce_sum3A_349 = vector.multi_reduction <add>, %slice3A_347, %reduce_sum3A_348 [2] : vector<128x20x128xf32> to vector<128x20xf32>
    %jit3A_350 = arith.constant -1.000000e+09 : f32
    %broadcast_in_dim3A_351 = vector.broadcast %jit3A_350 : f32 to vector<128x20xf32>
    %select_n3A_352 = arith.select %or3A_346, %broadcast_in_dim3A_351, %reduce_sum3A_349 : vector<128x20xi1>, vector<128x20xf32>
    %reduce_max3A_353 = arith.constant dense<0xFF800000> : vector<128xf32>
    %reduce_max3A_354 = vector.multi_reduction <maximumf>, %select_n3A_352, %reduce_max3A_353 [1] : vector<128x20xf32> to vector<128xf32>
    %broadcast_in_dim3A_355 = vector.shape_cast %reduce_max3A_354 : vector<128xf32> to vector<128x1xf32>
    %sub3A_356 = vector.broadcast %broadcast_in_dim3A_355 : vector<128x1xf32> to vector<128x20xf32>
    %sub3A_357 = arith.subf %select_n3A_352, %sub3A_356 : vector<128x20xf32>
    %exp3A_358 = math.exp %sub3A_357 : vector<128x20xf32>
    %reduce_sum3A_359 = arith.constant dense<0.000000e+00> : vector<128xf32>
    %reduce_sum3A_360 = vector.multi_reduction <add>, %exp3A_358, %reduce_sum3A_359 [1] : vector<128x20xf32> to vector<128xf32>
    %broadcast_in_dim3A_361 = vector.shape_cast %reduce_sum3A_360 : vector<128xf32> to vector<128x1xf32>
    %div3A_362 = vector.broadcast %broadcast_in_dim3A_361 : vector<128x1xf32> to vector<128x20xf32>
    %div3A_363 = arith.divf %exp3A_358, %div3A_362 : vector<128x20xf32>
    %broadcast_in_dim3A_364 = vector.shape_cast %div3A_363 : vector<128x20xf32> to vector<128x20x1xf32>
    %slice3A_365 = vector.extract_strided_slice %reshape3A_336 {offsets = [0, 0, 0], sizes = [128, 20, 128], strides = [1, 1, 1]} : vector<128x20x256xf32> to vector<128x20x128xf32>
    %mul3A_366 = vector.broadcast %broadcast_in_dim3A_364 : vector<128x20x1xf32> to vector<128x20x128xf32>
    %mul3A_367 = arith.mulf %mul3A_366, %slice3A_365 : vector<128x20x128xf32>
    %reduce_sum3A_368 = arith.constant dense<0.000000e+00> : vector<128x128xf32>
    %reduce_sum3A_369 = vector.multi_reduction <add>, %mul3A_367, %reduce_sum3A_368 [1] : vector<128x20x128xf32> to vector<128x128xf32>
    %slice3A_370 = vector.extract_strided_slice %mul3A_339 {offsets = [0, 0, 128], sizes = [128, 20, 128], strides = [1, 1, 1]} : vector<128x20x256xf32> to vector<128x20x128xf32>
    %reduce_sum3A_371 = arith.constant dense<0.000000e+00> : vector<128x20xf32>
    %reduce_sum3A_372 = vector.multi_reduction <add>, %slice3A_370, %reduce_sum3A_371 [2] : vector<128x20x128xf32> to vector<128x20xf32>
    %jit3A_373 = arith.constant -1.000000e+09 : f32
    %broadcast_in_dim3A_374 = vector.broadcast %jit3A_373 : f32 to vector<128x20xf32>
    %select_n3A_375 = arith.select %or3A_346, %broadcast_in_dim3A_374, %reduce_sum3A_372 : vector<128x20xi1>, vector<128x20xf32>
    %reduce_max3A_376 = arith.constant dense<0xFF800000> : vector<128xf32>
    %reduce_max3A_377 = vector.multi_reduction <maximumf>, %select_n3A_375, %reduce_max3A_376 [1] : vector<128x20xf32> to vector<128xf32>
    %broadcast_in_dim3A_378 = vector.shape_cast %reduce_max3A_377 : vector<128xf32> to vector<128x1xf32>
    %sub3A_379 = vector.broadcast %broadcast_in_dim3A_378 : vector<128x1xf32> to vector<128x20xf32>
    %sub3A_380 = arith.subf %select_n3A_375, %sub3A_379 : vector<128x20xf32>
    %exp3A_381 = math.exp %sub3A_380 : vector<128x20xf32>
    %reduce_sum3A_382 = arith.constant dense<0.000000e+00> : vector<128xf32>
    %reduce_sum3A_383 = vector.multi_reduction <add>, %exp3A_381, %reduce_sum3A_382 [1] : vector<128x20xf32> to vector<128xf32>
    %broadcast_in_dim3A_384 = vector.shape_cast %reduce_sum3A_383 : vector<128xf32> to vector<128x1xf32>
    %div3A_385 = vector.broadcast %broadcast_in_dim3A_384 : vector<128x1xf32> to vector<128x20xf32>
    %div3A_386 = arith.divf %exp3A_381, %div3A_385 : vector<128x20xf32>
    %broadcast_in_dim3A_387 = vector.shape_cast %div3A_386 : vector<128x20xf32> to vector<128x20x1xf32>
    %slice3A_388 = vector.extract_strided_slice %reshape3A_336 {offsets = [0, 0, 128], sizes = [128, 20, 128], strides = [1, 1, 1]} : vector<128x20x256xf32> to vector<128x20x128xf32>
    %mul3A_389 = vector.broadcast %broadcast_in_dim3A_387 : vector<128x20x1xf32> to vector<128x20x128xf32>
    %mul3A_390 = arith.mulf %mul3A_389, %slice3A_388 : vector<128x20x128xf32>
    %reduce_sum3A_391 = arith.constant dense<0.000000e+00> : vector<128x128xf32>
    %reduce_sum3A_392 = vector.multi_reduction <add>, %mul3A_390, %reduce_sum3A_391 [1] : vector<128x20x128xf32> to vector<128x128xf32>
    %concatenate3A_393 = tpu.concatenate %reduce_sum3A_369, %reduce_sum3A_392 in 1 : vector<128x128xf32>, vector<128x128xf32> -> vector<128x256xf32>
    %get3A_394 = arith.constant 0 : index
    %get3A_395 = arith.constant 0 : index
    %get3A_396 = vector.load %arg33[%get3A_394, %get3A_395] : memref<256x256xf32, #tpu.memory_space<vmem>>, vector<256x256xf32>
    %dot_general3A_397 = arith.constant dense<0.000000e+00> : vector<128x256xf32>
    %dot_general3A_398 = tpu.matmul %concatenate3A_393, %get3A_396, %dot_general3A_397 {dimension_numbers = #tpu.dot_dimension_numbers<[1], [0], [0], [1], [0, 0, 1, 1], [], []>, transpose_lhs_hint = false} : vector<128x256xf32>, vector<256x256xf32>, vector<128x256xf32> -> vector<128x256xf32>
    %get3A_399 = arith.constant 0 : index
    %get3A_400 = arith.constant 0 : index
    %get3A_401 = vector.load %arg34[%get3A_399, %get3A_400] : memref<256x256xf32, #tpu.memory_space<vmem>>, vector<256x256xf32>
    %dot_general3A_402 = arith.constant dense<0.000000e+00> : vector<128x256xf32>
    %dot_general3A_403 = tpu.matmul %get3A_215, %get3A_401, %dot_general3A_402 {dimension_numbers = #tpu.dot_dimension_numbers<[1], [0], [0], [1], [0, 0, 1, 1], [], []>, transpose_lhs_hint = false} : vector<128x256xf32>, vector<256x256xf32>, vector<128x256xf32> -> vector<128x256xf32>
    %add3A_404 = arith.addf %dot_general3A_398, %dot_general3A_403 : vector<128x256xf32>
    %get3A_405 = arith.constant 0 : index
    %get3A_406 = arith.constant 0 : index
    %get3A_407 = vector.load %arg35[%get3A_405, %get3A_406] : memref<1x256xf32, #tpu.memory_space<vmem>>, vector<1x256xf32>
    %add3A_408 = vector.broadcast %get3A_407 : vector<1x256xf32> to vector<128x256xf32>
    %add3A_409 = arith.addf %add3A_404, %add3A_408 : vector<128x256xf32>
    %max3A_410 = arith.constant 0.000000e+00 : f32
    %max3A_411 = vector.broadcast %max3A_410 : f32 to vector<128x256xf32>
    %max3A_412 = arith.maximumf %add3A_409, %max3A_411 : vector<128x256xf32>
    %get3A_413 = arith.constant 0 : index
    %get3A_414 = arith.constant 0 : index
    %get3A_415 = vector.load %arg36[%get3A_413, %get3A_414] : memref<256x256xf32, #tpu.memory_space<vmem>>, vector<256x256xf32>
    %dot_general3A_416 = arith.constant dense<0.000000e+00> : vector<128x256xf32>
    %dot_general3A_417 = tpu.matmul %max3A_412, %get3A_415, %dot_general3A_416 {dimension_numbers = #tpu.dot_dimension_numbers<[1], [0], [0], [1], [0, 0, 1, 1], [], []>, transpose_lhs_hint = false} : vector<128x256xf32>, vector<256x256xf32>, vector<128x256xf32> -> vector<128x256xf32>
    %get3A_418 = arith.constant 0 : index
    %get3A_419 = arith.constant 0 : index
    %get3A_420 = vector.load %arg37[%get3A_418, %get3A_419] : memref<1x256xf32, #tpu.memory_space<vmem>>, vector<1x256xf32>
    %add3A_421 = vector.broadcast %get3A_420 : vector<1x256xf32> to vector<128x256xf32>
    %add3A_422 = arith.addf %dot_general3A_417, %add3A_421 : vector<128x256xf32>
    %get3A_423 = arith.constant 0 : index
    %get3A_424 = arith.constant 0 : index
    %get3A_425 = vector.load %arg4[%get3A_423, %get3A_424] : memref<128x256xf32, #tpu.memory_space<vmem>>, vector<128x256xf32>
    %get3A_426 = arith.constant 0 : index
    %get3A_427 = arith.constant 0 : index
    %get3A_428 = vector.load %arg7[%get3A_426, %get3A_427] : memref<2560x256xf32, #tpu.memory_space<vmem>>, vector<2560x256xf32>
    %get3A_429 = arith.constant 0 : index
    %get3A_430 = arith.constant 0 : index
    %get3A_431 = vector.load %arg10[%get3A_429, %get3A_430] : memref<2560x16xf32, #tpu.memory_space<vmem>>, vector<2560x16xf32>
    %get3A_432 = arith.constant 0 : index
    %get3A_433 = arith.constant 0 : index
    %get3A_434 = vector.load %arg16[%get3A_432, %get3A_433] : memref<128x1xf32, #tpu.memory_space<vmem>>, vector<128x1xf32>
    %get3A_435 = arith.constant 0 : index
    %get3A_436 = arith.constant 0 : index
    %get3A_437 = vector.load %arg19[%get3A_435, %get3A_436] : memref<128x20xf32, #tpu.memory_space<vmem>>, vector<128x20xf32>
    %sub3A_438 = vector.broadcast %get3A_434 : vector<128x1xf32> to vector<128x20xf32>
    %sub3A_439 = arith.subf %sub3A_438, %get3A_437 : vector<128x20xf32>
    %broadcast_in_dim3A_440 = vector.shape_cast %sub3A_439 : vector<128x20xf32> to vector<128x20x1xf32>
    %mul3A_441 = vector.broadcast %broadcast_in_dim3A_440 : vector<128x20x1xf32> to vector<128x20x100xf32>
    %mul3A_442 = vector.broadcast %reshape3A : vector<1x1x100xf32> to vector<128x20x100xf32>
    %mul3A_443 = arith.mulf %mul3A_441, %mul3A_442 : vector<128x20x100xf32>
    %add3A_444 = vector.broadcast %reshape3A_17 : vector<1x1x100xf32> to vector<128x20x100xf32>
    %add3A_445 = arith.addf %mul3A_443, %add3A_444 : vector<128x20x100xf32>
    %mul3A_446 = arith.mulf %add3A_445, %add3A_445 : vector<128x20x100xf32>
    %mul3A_447 = arith.constant 4.77947726E-14 : f32
    %mul3A_448 = vector.broadcast %mul3A_447 : f32 to vector<128x20x100xf32>
    %mul3A_449 = arith.mulf %mul3A_448, %mul3A_446 : vector<128x20x100xf32>
    %add3A_450 = arith.constant -1.14707454E-11 : f32
    %add3A_451 = vector.broadcast %add3A_450 : f32 to vector<128x20x100xf32>
    %add3A_452 = arith.addf %mul3A_449, %add3A_451 : vector<128x20x100xf32>
    %mul3A_453 = arith.mulf %add3A_452, %mul3A_446 : vector<128x20x100xf32>
    %add3A_454 = arith.constant 2.08767559E-9 : f32
    %add3A_455 = vector.broadcast %add3A_454 : f32 to vector<128x20x100xf32>
    %add3A_456 = arith.addf %mul3A_453, %add3A_455 : vector<128x20x100xf32>
    %mul3A_457 = arith.mulf %add3A_456, %mul3A_446 : vector<128x20x100xf32>
    %add3A_458 = arith.constant -2.755732E-7 : f32
    %add3A_459 = vector.broadcast %add3A_458 : f32 to vector<128x20x100xf32>
    %add3A_460 = arith.addf %mul3A_457, %add3A_459 : vector<128x20x100xf32>
    %mul3A_461 = arith.mulf %add3A_460, %mul3A_446 : vector<128x20x100xf32>
    %add3A_462 = arith.constant 2.48015876E-5 : f32
    %add3A_463 = vector.broadcast %add3A_462 : f32 to vector<128x20x100xf32>
    %add3A_464 = arith.addf %mul3A_461, %add3A_463 : vector<128x20x100xf32>
    %mul3A_465 = arith.mulf %add3A_464, %mul3A_446 : vector<128x20x100xf32>
    %add3A_466 = arith.constant -0.00138888892 : f32
    %add3A_467 = vector.broadcast %add3A_466 : f32 to vector<128x20x100xf32>
    %add3A_468 = arith.addf %mul3A_465, %add3A_467 : vector<128x20x100xf32>
    %mul3A_469 = arith.mulf %add3A_468, %mul3A_446 : vector<128x20x100xf32>
    %add3A_470 = arith.constant 0.0416666679 : f32
    %add3A_471 = vector.broadcast %add3A_470 : f32 to vector<128x20x100xf32>
    %add3A_472 = arith.addf %mul3A_469, %add3A_471 : vector<128x20x100xf32>
    %mul3A_473 = arith.mulf %add3A_472, %mul3A_446 : vector<128x20x100xf32>
    %add3A_474 = arith.constant -5.000000e-01 : f32
    %add3A_475 = vector.broadcast %add3A_474 : f32 to vector<128x20x100xf32>
    %add3A_476 = arith.addf %mul3A_473, %add3A_475 : vector<128x20x100xf32>
    %mul3A_477 = arith.mulf %add3A_476, %mul3A_446 : vector<128x20x100xf32>
    %add3A_478 = arith.constant 1.000000e+00 : f32
    %add3A_479 = vector.broadcast %add3A_478 : f32 to vector<128x20x100xf32>
    %add3A_480 = arith.addf %mul3A_477, %add3A_479 : vector<128x20x100xf32>
    %reshape3A_481 = vector.shape_cast %add3A_480 : vector<128x20x100xf32> to vector<2560x100xf32>
    %convert_element_type3A_482 = arith.truncf %reshape3A_481 : vector<2560x100xf32> to vector<2560x100xbf16>
    %convert_element_type3A_483 = arith.truncf %get3A_428 : vector<2560x256xf32> to vector<2560x256xbf16>
    %convert_element_type3A_484 = arith.truncf %get3A_431 : vector<2560x16xf32> to vector<2560x16xbf16>
    %get3A_485 = arith.constant 0 : index
    %get3A_486 = arith.constant 0 : index
    %get3A_487 = vector.load %arg25[%get3A_485, %get3A_486] : memref<256x256xf32, #tpu.memory_space<vmem>>, vector<256x256xf32>
    %convert_element_type3A_488 = arith.truncf %get3A_487 : vector<256x256xf32> to vector<256x256xbf16>
    %dot_general3A_489 = arith.constant dense<0.000000e+00> : vector<2560x256xf32>
    %dot_general3A_490 = tpu.matmul %convert_element_type3A_483, %convert_element_type3A_488, %dot_general3A_489 {dimension_numbers = #tpu.dot_dimension_numbers<[1], [0], [0], [1], [0, 0, 1, 1], [], []>, transpose_lhs_hint = false} : vector<2560x256xbf16>, vector<256x256xbf16>, vector<2560x256xf32> -> vector<2560x256xf32>
    %get3A_491 = arith.constant 0 : index
    %get3A_492 = arith.constant 0 : index
    %get3A_493 = vector.load %arg26[%get3A_491, %get3A_492] : memref<16x256xf32, #tpu.memory_space<vmem>>, vector<16x256xf32>
    %convert_element_type3A_494 = arith.truncf %get3A_493 : vector<16x256xf32> to vector<16x256xbf16>
    %dot_general3A_495 = arith.constant dense<0.000000e+00> : vector<2560x256xf32>
    %dot_general3A_496 = tpu.matmul %convert_element_type3A_484, %convert_element_type3A_494, %dot_general3A_495 {dimension_numbers = #tpu.dot_dimension_numbers<[1], [0], [0], [1], [0, 0, 1, 1], [], []>, transpose_lhs_hint = false} : vector<2560x16xbf16>, vector<16x256xbf16>, vector<2560x256xf32> -> vector<2560x256xf32>
    %add3A_497 = arith.addf %dot_general3A_490, %dot_general3A_496 : vector<2560x256xf32>
    %get3A_498 = arith.constant 0 : index
    %get3A_499 = arith.constant 0 : index
    %get3A_500 = vector.load %arg27[%get3A_498, %get3A_499] : memref<100x256xf32, #tpu.memory_space<vmem>>, vector<100x256xf32>
    %convert_element_type3A_501 = arith.truncf %get3A_500 : vector<100x256xf32> to vector<100x256xbf16>
    %dot_general3A_502 = arith.constant dense<0.000000e+00> : vector<2560x256xf32>
    %dot_general3A_503 = tpu.matmul %convert_element_type3A_482, %convert_element_type3A_501, %dot_general3A_502 {dimension_numbers = #tpu.dot_dimension_numbers<[1], [0], [0], [1], [0, 0, 1, 1], [], []>, transpose_lhs_hint = false} : vector<2560x100xbf16>, vector<100x256xbf16>, vector<2560x256xf32> -> vector<2560x256xf32>
    %add3A_504 = arith.addf %add3A_497, %dot_general3A_503 : vector<2560x256xf32>
    %get3A_505 = arith.constant 0 : index
    %get3A_506 = arith.constant 0 : index
    %get3A_507 = vector.load %arg28[%get3A_505, %get3A_506] : memref<1x256xf32, #tpu.memory_space<vmem>>, vector<1x256xf32>
    %add3A_508 = vector.broadcast %get3A_507 : vector<1x256xf32> to vector<2560x256xf32>
    %add3A_509 = arith.addf %add3A_504, %add3A_508 : vector<2560x256xf32>
    %get3A_510 = arith.constant 0 : index
    %get3A_511 = arith.constant 0 : index
    %get3A_512 = vector.load %arg29[%get3A_510, %get3A_511] : memref<256x256xf32, #tpu.memory_space<vmem>>, vector<256x256xf32>
    %convert_element_type3A_513 = arith.truncf %get3A_512 : vector<256x256xf32> to vector<256x256xbf16>
    %dot_general3A_514 = arith.constant dense<0.000000e+00> : vector<2560x256xf32>
    %dot_general3A_515 = tpu.matmul %convert_element_type3A_483, %convert_element_type3A_513, %dot_general3A_514 {dimension_numbers = #tpu.dot_dimension_numbers<[1], [0], [0], [1], [0, 0, 1, 1], [], []>, transpose_lhs_hint = false} : vector<2560x256xbf16>, vector<256x256xbf16>, vector<2560x256xf32> -> vector<2560x256xf32>
    %get3A_516 = arith.constant 0 : index
    %get3A_517 = arith.constant 0 : index
    %get3A_518 = vector.load %arg30[%get3A_516, %get3A_517] : memref<16x256xf32, #tpu.memory_space<vmem>>, vector<16x256xf32>
    %convert_element_type3A_519 = arith.truncf %get3A_518 : vector<16x256xf32> to vector<16x256xbf16>
    %dot_general3A_520 = arith.constant dense<0.000000e+00> : vector<2560x256xf32>
    %dot_general3A_521 = tpu.matmul %convert_element_type3A_484, %convert_element_type3A_519, %dot_general3A_520 {dimension_numbers = #tpu.dot_dimension_numbers<[1], [0], [0], [1], [0, 0, 1, 1], [], []>, transpose_lhs_hint = false} : vector<2560x16xbf16>, vector<16x256xbf16>, vector<2560x256xf32> -> vector<2560x256xf32>
    %add3A_522 = arith.addf %dot_general3A_515, %dot_general3A_521 : vector<2560x256xf32>
    %get3A_523 = arith.constant 0 : index
    %get3A_524 = arith.constant 0 : index
    %get3A_525 = vector.load %arg31[%get3A_523, %get3A_524] : memref<100x256xf32, #tpu.memory_space<vmem>>, vector<100x256xf32>
    %convert_element_type3A_526 = arith.truncf %get3A_525 : vector<100x256xf32> to vector<100x256xbf16>
    %dot_general3A_527 = arith.constant dense<0.000000e+00> : vector<2560x256xf32>
    %dot_general3A_528 = tpu.matmul %convert_element_type3A_482, %convert_element_type3A_526, %dot_general3A_527 {dimension_numbers = #tpu.dot_dimension_numbers<[1], [0], [0], [1], [0, 0, 1, 1], [], []>, transpose_lhs_hint = false} : vector<2560x100xbf16>, vector<100x256xbf16>, vector<2560x256xf32> -> vector<2560x256xf32>
    %add3A_529 = arith.addf %add3A_522, %dot_general3A_528 : vector<2560x256xf32>
    %get3A_530 = arith.constant 0 : index
    %get3A_531 = arith.constant 0 : index
    %get3A_532 = vector.load %arg32[%get3A_530, %get3A_531] : memref<1x256xf32, #tpu.memory_space<vmem>>, vector<1x256xf32>
    %add3A_533 = vector.broadcast %get3A_532 : vector<1x256xf32> to vector<2560x256xf32>
    %add3A_534 = arith.addf %add3A_529, %add3A_533 : vector<2560x256xf32>
    %get3A_535 = arith.constant 0 : index
    %get3A_536 = arith.constant 0 : index
    %get3A_537 = vector.load %arg22[%get3A_535, %get3A_536] : memref<256x256xf32, #tpu.memory_space<vmem>>, vector<256x256xf32>
    %dot_general3A_538 = arith.constant dense<0.000000e+00> : vector<128x256xf32>
    %dot_general3A_539 = tpu.matmul %get3A_425, %get3A_537, %dot_general3A_538 {dimension_numbers = #tpu.dot_dimension_numbers<[1], [0], [0], [1], [0, 0, 1, 1], [], []>, transpose_lhs_hint = false} : vector<128x256xf32>, vector<256x256xf32>, vector<128x256xf32> -> vector<128x256xf32>
    %add3A_540 = vector.broadcast %add3A : vector<1x256xf32> to vector<128x256xf32>
    %add3A_541 = arith.addf %dot_general3A_539, %add3A_540 : vector<128x256xf32>
    %mul3A_542 = arith.constant 0.0883883461 : f32
    %mul3A_543 = vector.broadcast %mul3A_542 : f32 to vector<128x256xf32>
    %mul3A_544 = arith.mulf %add3A_541, %mul3A_543 : vector<128x256xf32>
    %reshape3A_545 = vector.shape_cast %add3A_509 : vector<2560x256xf32> to vector<128x20x256xf32>
    %reshape3A_546 = vector.shape_cast %add3A_534 : vector<2560x256xf32> to vector<128x20x256xf32>
    %broadcast_in_dim3A_547 = vector.shape_cast %mul3A_544 : vector<128x256xf32> to vector<128x1x256xf32>
    %mul3A_548 = vector.broadcast %broadcast_in_dim3A_547 : vector<128x1x256xf32> to vector<128x20x256xf32>
    %mul3A_549 = arith.mulf %reshape3A_545, %mul3A_548 : vector<128x20x256xf32>
    %get3A_550 = arith.constant 0 : index
    %get3A_551 = arith.constant 0 : index
    %get3A_552 = vector.load %arg13[%get3A_550, %get3A_551] : memref<128x20xi32, #tpu.memory_space<vmem>>, vector<128x20xi32>
    %eq3A_553 = arith.constant 0 : i32
    %eq3A_554 = vector.broadcast %eq3A_553 : i32 to vector<128x20xi32>
    %eq3A_555 = arith.cmpi eq, %get3A_552, %eq3A_554 : vector<128x20xi32>
    %or3A_556 = arith.ori %eq3A_555, %ge3A_16 : vector<128x20xi1>
    %slice3A_557 = vector.extract_strided_slice %mul3A_549 {offsets = [0, 0, 0], sizes = [128, 20, 128], strides = [1, 1, 1]} : vector<128x20x256xf32> to vector<128x20x128xf32>
    %reduce_sum3A_558 = arith.constant dense<0.000000e+00> : vector<128x20xf32>
    %reduce_sum3A_559 = vector.multi_reduction <add>, %slice3A_557, %reduce_sum3A_558 [2] : vector<128x20x128xf32> to vector<128x20xf32>
    %jit3A_560 = arith.constant -1.000000e+09 : f32
    %broadcast_in_dim3A_561 = vector.broadcast %jit3A_560 : f32 to vector<128x20xf32>
    %select_n3A_562 = arith.select %or3A_556, %broadcast_in_dim3A_561, %reduce_sum3A_559 : vector<128x20xi1>, vector<128x20xf32>
    %reduce_max3A_563 = arith.constant dense<0xFF800000> : vector<128xf32>
    %reduce_max3A_564 = vector.multi_reduction <maximumf>, %select_n3A_562, %reduce_max3A_563 [1] : vector<128x20xf32> to vector<128xf32>
    %broadcast_in_dim3A_565 = vector.shape_cast %reduce_max3A_564 : vector<128xf32> to vector<128x1xf32>
    %sub3A_566 = vector.broadcast %broadcast_in_dim3A_565 : vector<128x1xf32> to vector<128x20xf32>
    %sub3A_567 = arith.subf %select_n3A_562, %sub3A_566 : vector<128x20xf32>
    %exp3A_568 = math.exp %sub3A_567 : vector<128x20xf32>
    %reduce_sum3A_569 = arith.constant dense<0.000000e+00> : vector<128xf32>
    %reduce_sum3A_570 = vector.multi_reduction <add>, %exp3A_568, %reduce_sum3A_569 [1] : vector<128x20xf32> to vector<128xf32>
    %broadcast_in_dim3A_571 = vector.shape_cast %reduce_sum3A_570 : vector<128xf32> to vector<128x1xf32>
    %div3A_572 = vector.broadcast %broadcast_in_dim3A_571 : vector<128x1xf32> to vector<128x20xf32>
    %div3A_573 = arith.divf %exp3A_568, %div3A_572 : vector<128x20xf32>
    %broadcast_in_dim3A_574 = vector.shape_cast %div3A_573 : vector<128x20xf32> to vector<128x20x1xf32>
    %slice3A_575 = vector.extract_strided_slice %reshape3A_546 {offsets = [0, 0, 0], sizes = [128, 20, 128], strides = [1, 1, 1]} : vector<128x20x256xf32> to vector<128x20x128xf32>
    %mul3A_576 = vector.broadcast %broadcast_in_dim3A_574 : vector<128x20x1xf32> to vector<128x20x128xf32>
    %mul3A_577 = arith.mulf %mul3A_576, %slice3A_575 : vector<128x20x128xf32>
    %reduce_sum3A_578 = arith.constant dense<0.000000e+00> : vector<128x128xf32>
    %reduce_sum3A_579 = vector.multi_reduction <add>, %mul3A_577, %reduce_sum3A_578 [1] : vector<128x20x128xf32> to vector<128x128xf32>
    %slice3A_580 = vector.extract_strided_slice %mul3A_549 {offsets = [0, 0, 128], sizes = [128, 20, 128], strides = [1, 1, 1]} : vector<128x20x256xf32> to vector<128x20x128xf32>
    %reduce_sum3A_581 = arith.constant dense<0.000000e+00> : vector<128x20xf32>
    %reduce_sum3A_582 = vector.multi_reduction <add>, %slice3A_580, %reduce_sum3A_581 [2] : vector<128x20x128xf32> to vector<128x20xf32>
    %jit3A_583 = arith.constant -1.000000e+09 : f32
    %broadcast_in_dim3A_584 = vector.broadcast %jit3A_583 : f32 to vector<128x20xf32>
    %select_n3A_585 = arith.select %or3A_556, %broadcast_in_dim3A_584, %reduce_sum3A_582 : vector<128x20xi1>, vector<128x20xf32>
    %reduce_max3A_586 = arith.constant dense<0xFF800000> : vector<128xf32>
    %reduce_max3A_587 = vector.multi_reduction <maximumf>, %select_n3A_585, %reduce_max3A_586 [1] : vector<128x20xf32> to vector<128xf32>
    %broadcast_in_dim3A_588 = vector.shape_cast %reduce_max3A_587 : vector<128xf32> to vector<128x1xf32>
    %sub3A_589 = vector.broadcast %broadcast_in_dim3A_588 : vector<128x1xf32> to vector<128x20xf32>
    %sub3A_590 = arith.subf %select_n3A_585, %sub3A_589 : vector<128x20xf32>
    %exp3A_591 = math.exp %sub3A_590 : vector<128x20xf32>
    %reduce_sum3A_592 = arith.constant dense<0.000000e+00> : vector<128xf32>
    %reduce_sum3A_593 = vector.multi_reduction <add>, %exp3A_591, %reduce_sum3A_592 [1] : vector<128x20xf32> to vector<128xf32>
    %broadcast_in_dim3A_594 = vector.shape_cast %reduce_sum3A_593 : vector<128xf32> to vector<128x1xf32>
    %div3A_595 = vector.broadcast %broadcast_in_dim3A_594 : vector<128x1xf32> to vector<128x20xf32>
    %div3A_596 = arith.divf %exp3A_591, %div3A_595 : vector<128x20xf32>
    %broadcast_in_dim3A_597 = vector.shape_cast %div3A_596 : vector<128x20xf32> to vector<128x20x1xf32>
    %slice3A_598 = vector.extract_strided_slice %reshape3A_546 {offsets = [0, 0, 128], sizes = [128, 20, 128], strides = [1, 1, 1]} : vector<128x20x256xf32> to vector<128x20x128xf32>
    %mul3A_599 = vector.broadcast %broadcast_in_dim3A_597 : vector<128x20x1xf32> to vector<128x20x128xf32>
    %mul3A_600 = arith.mulf %mul3A_599, %slice3A_598 : vector<128x20x128xf32>
    %reduce_sum3A_601 = arith.constant dense<0.000000e+00> : vector<128x128xf32>
    %reduce_sum3A_602 = vector.multi_reduction <add>, %mul3A_600, %reduce_sum3A_601 [1] : vector<128x20x128xf32> to vector<128x128xf32>
    %concatenate3A_603 = tpu.concatenate %reduce_sum3A_579, %reduce_sum3A_602 in 1 : vector<128x128xf32>, vector<128x128xf32> -> vector<128x256xf32>
    %get3A_604 = arith.constant 0 : index
    %get3A_605 = arith.constant 0 : index
    %get3A_606 = vector.load %arg33[%get3A_604, %get3A_605] : memref<256x256xf32, #tpu.memory_space<vmem>>, vector<256x256xf32>
    %dot_general3A_607 = arith.constant dense<0.000000e+00> : vector<128x256xf32>
    %dot_general3A_608 = tpu.matmul %concatenate3A_603, %get3A_606, %dot_general3A_607 {dimension_numbers = #tpu.dot_dimension_numbers<[1], [0], [0], [1], [0, 0, 1, 1], [], []>, transpose_lhs_hint = false} : vector<128x256xf32>, vector<256x256xf32>, vector<128x256xf32> -> vector<128x256xf32>
    %get3A_609 = arith.constant 0 : index
    %get3A_610 = arith.constant 0 : index
    %get3A_611 = vector.load %arg34[%get3A_609, %get3A_610] : memref<256x256xf32, #tpu.memory_space<vmem>>, vector<256x256xf32>
    %dot_general3A_612 = arith.constant dense<0.000000e+00> : vector<128x256xf32>
    %dot_general3A_613 = tpu.matmul %get3A_425, %get3A_611, %dot_general3A_612 {dimension_numbers = #tpu.dot_dimension_numbers<[1], [0], [0], [1], [0, 0, 1, 1], [], []>, transpose_lhs_hint = false} : vector<128x256xf32>, vector<256x256xf32>, vector<128x256xf32> -> vector<128x256xf32>
    %add3A_614 = arith.addf %dot_general3A_608, %dot_general3A_613 : vector<128x256xf32>
    %get3A_615 = arith.constant 0 : index
    %get3A_616 = arith.constant 0 : index
    %get3A_617 = vector.load %arg35[%get3A_615, %get3A_616] : memref<1x256xf32, #tpu.memory_space<vmem>>, vector<1x256xf32>
    %add3A_618 = vector.broadcast %get3A_617 : vector<1x256xf32> to vector<128x256xf32>
    %add3A_619 = arith.addf %add3A_614, %add3A_618 : vector<128x256xf32>
    %max3A_620 = arith.constant 0.000000e+00 : f32
    %max3A_621 = vector.broadcast %max3A_620 : f32 to vector<128x256xf32>
    %max3A_622 = arith.maximumf %add3A_619, %max3A_621 : vector<128x256xf32>
    %get3A_623 = arith.constant 0 : index
    %get3A_624 = arith.constant 0 : index
    %get3A_625 = vector.load %arg36[%get3A_623, %get3A_624] : memref<256x256xf32, #tpu.memory_space<vmem>>, vector<256x256xf32>
    %dot_general3A_626 = arith.constant dense<0.000000e+00> : vector<128x256xf32>
    %dot_general3A_627 = tpu.matmul %max3A_622, %get3A_625, %dot_general3A_626 {dimension_numbers = #tpu.dot_dimension_numbers<[1], [0], [0], [1], [0, 0, 1, 1], [], []>, transpose_lhs_hint = false} : vector<128x256xf32>, vector<256x256xf32>, vector<128x256xf32> -> vector<128x256xf32>
    %get3A_628 = arith.constant 0 : index
    %get3A_629 = arith.constant 0 : index
    %get3A_630 = vector.load %arg37[%get3A_628, %get3A_629] : memref<1x256xf32, #tpu.memory_space<vmem>>, vector<1x256xf32>
    %add3A_631 = vector.broadcast %get3A_630 : vector<1x256xf32> to vector<128x256xf32>
    %add3A_632 = arith.addf %dot_general3A_627, %add3A_631 : vector<128x256xf32>
    %get3A_633 = arith.constant 0 : index
    %get3A_634 = arith.constant 0 : index
    %get3A_635 = vector.load %arg38[%get3A_633, %get3A_634] : memref<256x256xf32, #tpu.memory_space<vmem>>, vector<256x256xf32>
    %dot_general3A_636 = arith.constant dense<0.000000e+00> : vector<128x256xf32>
    %dot_general3A_637 = tpu.matmul %add3A_212, %get3A_635, %dot_general3A_636 {dimension_numbers = #tpu.dot_dimension_numbers<[1], [0], [0], [1], [0, 0, 1, 1], [], []>, transpose_lhs_hint = false} : vector<128x256xf32>, vector<256x256xf32>, vector<128x256xf32> -> vector<128x256xf32>
    %get3A_638 = arith.constant 0 : index
    %get3A_639 = arith.constant 0 : index
    %get3A_640 = vector.load %arg39[%get3A_638, %get3A_639] : memref<1x256xf32, #tpu.memory_space<vmem>>, vector<1x256xf32>
    %add3A_641 = vector.broadcast %get3A_640 : vector<1x256xf32> to vector<128x256xf32>
    %add3A_642 = arith.addf %dot_general3A_637, %add3A_641 : vector<128x256xf32>
    %get3A_643 = arith.constant 0 : index
    %get3A_644 = arith.constant 0 : index
    %get3A_645 = vector.load %arg42[%get3A_643, %get3A_644] : memref<256x1xf32, #tpu.memory_space<vmem>>, vector<256x1xf32>
    %get3A_646 = arith.constant 0 : index
    %get3A_647 = arith.constant 0 : index
    %get3A_648 = vector.load %arg43[%get3A_646, %get3A_647] : memref<1x1xf32, #tpu.memory_space<vmem>>, vector<1x1xf32>
    %get3A_649 = arith.constant 0 : index
    %get3A_650 = arith.constant 0 : index
    %get3A_651 = vector.load %arg40[%get3A_649, %get3A_650] : memref<256x256xf32, #tpu.memory_space<vmem>>, vector<256x256xf32>
    %dot_general3A_652 = arith.constant dense<0.000000e+00> : vector<128x256xf32>
    %dot_general3A_653 = tpu.matmul %add3A_422, %get3A_651, %dot_general3A_652 {dimension_numbers = #tpu.dot_dimension_numbers<[1], [0], [0], [1], [0, 0, 1, 1], [], []>, transpose_lhs_hint = false} : vector<128x256xf32>, vector<256x256xf32>, vector<128x256xf32> -> vector<128x256xf32>
    %add3A_654 = arith.addf %add3A_642, %dot_general3A_653 : vector<128x256xf32>
    %get3A_655 = arith.constant 0 : index
    %get3A_656 = arith.constant 0 : index
    %get3A_657 = vector.load %arg41[%get3A_655, %get3A_656] : memref<1x256xf32, #tpu.memory_space<vmem>>, vector<1x256xf32>
    %add3A_658 = vector.broadcast %get3A_657 : vector<1x256xf32> to vector<128x256xf32>
    %add3A_659 = arith.addf %add3A_654, %add3A_658 : vector<128x256xf32>
    %max3A_660 = arith.constant 0.000000e+00 : f32
    %max3A_661 = vector.broadcast %max3A_660 : f32 to vector<128x256xf32>
    %max3A_662 = arith.maximumf %add3A_659, %max3A_661 : vector<128x256xf32>
    %get3A_663 = arith.constant 0 : index
    %get3A_664 = arith.constant 0 : index
    %get3A_665 = vector.load %arg40[%get3A_663, %get3A_664] : memref<256x256xf32, #tpu.memory_space<vmem>>, vector<256x256xf32>
    %dot_general3A_666 = arith.constant dense<0.000000e+00> : vector<128x256xf32>
    %dot_general3A_667 = tpu.matmul %add3A_632, %get3A_665, %dot_general3A_666 {dimension_numbers = #tpu.dot_dimension_numbers<[1], [0], [0], [1], [0, 0, 1, 1], [], []>, transpose_lhs_hint = false} : vector<128x256xf32>, vector<256x256xf32>, vector<128x256xf32> -> vector<128x256xf32>
    %add3A_668 = arith.addf %add3A_642, %dot_general3A_667 : vector<128x256xf32>
    %get3A_669 = arith.constant 0 : index
    %get3A_670 = arith.constant 0 : index
    %get3A_671 = vector.load %arg41[%get3A_669, %get3A_670] : memref<1x256xf32, #tpu.memory_space<vmem>>, vector<1x256xf32>
    %add3A_672 = vector.broadcast %get3A_671 : vector<1x256xf32> to vector<128x256xf32>
    %add3A_673 = arith.addf %add3A_668, %add3A_672 : vector<128x256xf32>
    %max3A_674 = arith.constant 0.000000e+00 : f32
    %max3A_675 = vector.broadcast %max3A_674 : f32 to vector<128x256xf32>
    %max3A_676 = arith.maximumf %add3A_673, %max3A_675 : vector<128x256xf32>
    %dot_general3A_677 = arith.constant dense<0.000000e+00> : vector<128x1xf32>
    %dot_general3A_678 = tpu.matmul %max3A_662, %get3A_645, %dot_general3A_677 {dimension_numbers = #tpu.dot_dimension_numbers<[1], [0], [0], [1], [0, 0, 1, 1], [], []>, transpose_lhs_hint = false} : vector<128x256xf32>, vector<256x1xf32>, vector<128x1xf32> -> vector<128x1xf32>
    %add3A_679 = vector.broadcast %get3A_648 : vector<1x1xf32> to vector<128x1xf32>
    %add3A_680 = arith.addf %dot_general3A_678, %add3A_679 : vector<128x1xf32>
    %logistic3A = arith.negf %add3A_680 : vector<128x1xf32>
    %logistic3A_681 = math.exp %logistic3A : vector<128x1xf32>
    %logistic3A_682 = arith.constant 1.000000e+00 : f32
    %logistic3A_683 = vector.broadcast %logistic3A_682 : f32 to vector<128x1xf32>
    %logistic3A_684 = arith.addf %logistic3A_683, %logistic3A_681 : vector<128x1xf32>
    %logistic3A_685 = arith.divf %logistic3A_683, %logistic3A_684 : vector<128x1xf32>
    %swap3A = arith.constant 0 : index
    %swap3A_686 = arith.constant 0 : index
    %swap3A_687 = vector.load %arg44[%swap3A, %swap3A_686] : memref<128x1xf32, #tpu.memory_space<vmem>>, vector<128x1xf32>
    tpu.vector_store %arg44[%swap3A, %swap3A_686], %logistic3A_685 {strides = array<i32>} : memref<128x1xf32, #tpu.memory_space<vmem>>, vector<128x1xf32>,
    %dot_general3A_688 = arith.constant dense<0.000000e+00> : vector<128x1xf32>
    %dot_general3A_689 = tpu.matmul %max3A_676, %get3A_645, %dot_general3A_688 {dimension_numbers = #tpu.dot_dimension_numbers<[1], [0], [0], [1], [0, 0, 1, 1], [], []>, transpose_lhs_hint = false} : vector<128x256xf32>, vector<256x1xf32>, vector<128x1xf32> -> vector<128x1xf32>
    %add3A_690 = vector.broadcast %get3A_648 : vector<1x1xf32> to vector<128x1xf32>
    %add3A_691 = arith.addf %dot_general3A_689, %add3A_690 : vector<128x1xf32>
    %logistic3A_692 = arith.negf %add3A_691 : vector<128x1xf32>
    %logistic3A_693 = math.exp %logistic3A_692 : vector<128x1xf32>
    %logistic3A_694 = arith.constant 1.000000e+00 : f32
    %logistic3A_695 = vector.broadcast %logistic3A_694 : f32 to vector<128x1xf32>
    %logistic3A_696 = arith.addf %logistic3A_695, %logistic3A_693 : vector<128x1xf32>
    %logistic3A_697 = arith.divf %logistic3A_695, %logistic3A_696 : vector<128x1xf32>
    %swap3A_698 = arith.constant 0 : index
    %swap3A_699 = arith.constant 0 : index
    %swap3A_700 = vector.load %arg45[%swap3A_698, %swap3A_699] : memref<128x1xf32, #tpu.memory_space<vmem>>, vector<128x1xf32>
    tpu.vector_store %arg45[%swap3A_698, %swap3A_699], %logistic3A_697 {strides = array<i32>} : memref<128x1xf32, #tpu.memory_space<vmem>>, vector<128x1xf32>,
    return
  }
  func.func @transform_0(%arg0: i32) -> (i32, i32) {
    %c0_i32 = arith.constant 0 : i32
    %c0_i32_0 = arith.constant 0 : i32
    %c0_i32_1 = arith.constant 0 : i32
    return %c0_i32, %c0_i32_0 : i32, i32
  }
  func.func @transform_1(%arg0: i32) -> (i32, i32) {
    %add3A = arith.constant 0 : i32
    %add3A_0 = arith.addi %arg0, %add3A : i32
    %c0_i32 = arith.constant 0 : i32
    %c0_i32_1 = arith.constant 0 : i32
    return %add3A_0, %c0_i32 : i32, i32
  }
  func.func @transform_2(%arg0: i32) -> (i32, i32) {
    %add3A = arith.constant 16 : i32
    %add3A_0 = arith.addi %arg0, %add3A : i32
    %c0_i32 = arith.constant 0 : i32
    %c0_i32_1 = arith.constant 0 : i32
    return %add3A_0, %c0_i32 : i32, i32
  }
  func.func @transform_3(%arg0: i32) -> (i32, i32) {
    %add3A = arith.constant 32 : i32
    %add3A_0 = arith.addi %arg0, %add3A : i32
    %c0_i32 = arith.constant 0 : i32
    %c0_i32_1 = arith.constant 0 : i32
    return %add3A_0, %c0_i32 : i32, i32
  }
  func.func @transform_4(%arg0: i32) -> (i32, i32) {
    %add3A = arith.constant 0 : i32
    %add3A_0 = arith.addi %arg0, %add3A : i32
    %c0_i32 = arith.constant 0 : i32
    %c0_i32_1 = arith.constant 0 : i32
    return %add3A_0, %c0_i32 : i32, i32
  }
  func.func @transform_5(%arg0: i32) -> (i32, i32) {
    %add3A = arith.constant 16 : i32
    %add3A_0 = arith.addi %arg0, %add3A : i32
    %c0_i32 = arith.constant 0 : i32
    %c0_i32_1 = arith.constant 0 : i32
    return %add3A_0, %c0_i32 : i32, i32
  }
  func.func @transform_6(%arg0: i32) -> (i32, i32) {
    %add3A = arith.constant 32 : i32
    %add3A_0 = arith.addi %arg0, %add3A : i32
    %c0_i32 = arith.constant 0 : i32
    %c0_i32_1 = arith.constant 0 : i32
    return %add3A_0, %c0_i32 : i32, i32
  }
  func.func @transform_7(%arg0: i32) -> (i32, i32) {
    %add3A = arith.constant 0 : i32
    %add3A_0 = arith.addi %arg0, %add3A : i32
    %c0_i32 = arith.constant 0 : i32
    %c0_i32_1 = arith.constant 0 : i32
    return %add3A_0, %c0_i32 : i32, i32
  }
  func.func @transform_8(%arg0: i32) -> (i32, i32) {
    %add3A = arith.constant 16 : i32
    %add3A_0 = arith.addi %arg0, %add3A : i32
    %c0_i32 = arith.constant 0 : i32
    %c0_i32_1 = arith.constant 0 : i32
    return %add3A_0, %c0_i32 : i32, i32
  }
  func.func @transform_9(%arg0: i32) -> (i32, i32) {
    %add3A = arith.constant 32 : i32
    %add3A_0 = arith.addi %arg0, %add3A : i32
    %c0_i32 = arith.constant 0 : i32
    %c0_i32_1 = arith.constant 0 : i32
    return %add3A_0, %c0_i32 : i32, i32
  }
  func.func @transform_10(%arg0: i32) -> (i32, i32) {
    %add3A = arith.constant 0 : i32
    %add3A_0 = arith.addi %arg0, %add3A : i32
    %c0_i32 = arith.constant 0 : i32
    %c0_i32_1 = arith.constant 0 : i32
    return %add3A_0, %c0_i32 : i32, i32
  }
  func.func @transform_11(%arg0: i32) -> (i32, i32) {
    %add3A = arith.constant 16 : i32
    %add3A_0 = arith.addi %arg0, %add3A : i32
    %c0_i32 = arith.constant 0 : i32
    %c0_i32_1 = arith.constant 0 : i32
    return %add3A_0, %c0_i32 : i32, i32
  }
  func.func @transform_12(%arg0: i32) -> (i32, i32) {
    %add3A = arith.constant 32 : i32
    %add3A_0 = arith.addi %arg0, %add3A : i32
    %c0_i32 = arith.constant 0 : i32
    %c0_i32_1 = arith.constant 0 : i32
    return %add3A_0, %c0_i32 : i32, i32
  }
  func.func @transform_13(%arg0: i32) -> (i32, i32) {
    %add3A = arith.constant 0 : i32
    %add3A_0 = arith.addi %arg0, %add3A : i32
    %c0_i32 = arith.constant 0 : i32
    %c0_i32_1 = arith.constant 0 : i32
    return %add3A_0, %c0_i32 : i32, i32
  }
  func.func @transform_14(%arg0: i32) -> (i32, i32) {
    %add3A = arith.constant 16 : i32
    %add3A_0 = arith.addi %arg0, %add3A : i32
    %c0_i32 = arith.constant 0 : i32
    %c0_i32_1 = arith.constant 0 : i32
    return %add3A_0, %c0_i32 : i32, i32
  }
  func.func @transform_15(%arg0: i32) -> (i32, i32) {
    %add3A = arith.constant 32 : i32
    %add3A_0 = arith.addi %arg0, %add3A : i32
    %c0_i32 = arith.constant 0 : i32
    %c0_i32_1 = arith.constant 0 : i32
    return %add3A_0, %c0_i32 : i32, i32
  }
  func.func @transform_16(%arg0: i32) -> (i32, i32) {
    %add3A = arith.constant 0 : i32
    %add3A_0 = arith.addi %arg0, %add3A : i32
    %c0_i32 = arith.constant 0 : i32
    %c0_i32_1 = arith.constant 0 : i32
    return %add3A_0, %c0_i32 : i32, i32
  }
  func.func @transform_17(%arg0: i32) -> (i32, i32) {
    %add3A = arith.constant 16 : i32
    %add3A_0 = arith.addi %arg0, %add3A : i32
    %c0_i32 = arith.constant 0 : i32
    %c0_i32_1 = arith.constant 0 : i32
    return %add3A_0, %c0_i32 : i32, i32
  }
  func.func @transform_18(%arg0: i32) -> (i32, i32) {
    %add3A = arith.constant 32 : i32
    %add3A_0 = arith.addi %arg0, %add3A : i32
    %c0_i32 = arith.constant 0 : i32
    %c0_i32_1 = arith.constant 0 : i32
    return %add3A_0, %c0_i32 : i32, i32
  }
  func.func @transform_19(%arg0: i32) -> (i32, i32) {
    %c0_i32 = arith.constant 0 : i32
    %c0_i32_0 = arith.constant 0 : i32
    %c0_i32_1 = arith.constant 0 : i32
    return %c0_i32, %c0_i32_0 : i32, i32
  }
  func.func @transform_20(%arg0: i32) -> (i32, i32) {
    %c0_i32 = arith.constant 0 : i32
    %c0_i32_0 = arith.constant 0 : i32
    %c0_i32_1 = arith.constant 0 : i32
    return %c0_i32, %c0_i32_0 : i32, i32
  }
  func.func @transform_21(%arg0: i32) -> (i32, i32) {
    %c0_i32 = arith.constant 0 : i32
    %c0_i32_0 = arith.constant 0 : i32
    %c0_i32_1 = arith.constant 0 : i32
    return %c0_i32, %c0_i32_0 : i32, i32
  }
  func.func @transform_22(%arg0: i32) -> (i32, i32) {
    %c0_i32 = arith.constant 0 : i32
    %c0_i32_0 = arith.constant 0 : i32
    %c0_i32_1 = arith.constant 0 : i32
    return %c0_i32, %c0_i32_0 : i32, i32
  }
  func.func @transform_23(%arg0: i32) -> (i32, i32) {
    %c0_i32 = arith.constant 0 : i32
    %c0_i32_0 = arith.constant 0 : i32
    %c0_i32_1 = arith.constant 0 : i32
    return %c0_i32, %c0_i32_0 : i32, i32
  }
  func.func @transform_24(%arg0: i32) -> (i32, i32) {
    %c0_i32 = arith.constant 0 : i32
    %c0_i32_0 = arith.constant 0 : i32
    %c0_i32_1 = arith.constant 0 : i32
    return %c0_i32, %c0_i32_0 : i32, i32
  }
  func.func @transform_25(%arg0: i32) -> (i32, i32) {
    %c0_i32 = arith.constant 0 : i32
    %c0_i32_0 = arith.constant 0 : i32
    %c0_i32_1 = arith.constant 0 : i32
    return %c0_i32, %c0_i32_0 : i32, i32
  }
  func.func @transform_26(%arg0: i32) -> (i32, i32) {
    %c0_i32 = arith.constant 0 : i32
    %c0_i32_0 = arith.constant 0 : i32
    %c0_i32_1 = arith.constant 0 : i32
    return %c0_i32, %c0_i32_0 : i32, i32
  }
  func.func @transform_27(%arg0: i32) -> (i32, i32) {
    %c0_i32 = arith.constant 0 : i32
    %c0_i32_0 = arith.constant 0 : i32
    %c0_i32_1 = arith.constant 0 : i32
    return %c0_i32, %c0_i32_0 : i32, i32
  }
  func.func @transform_28(%arg0: i32) -> (i32, i32) {
    %c0_i32 = arith.constant 0 : i32
    %c0_i32_0 = arith.constant 0 : i32
    %c0_i32_1 = arith.constant 0 : i32
    return %c0_i32, %c0_i32_0 : i32, i32
  }
  func.func @transform_29(%arg0: i32) -> (i32, i32) {
    %c0_i32 = arith.constant 0 : i32
    %c0_i32_0 = arith.constant 0 : i32
    %c0_i32_1 = arith.constant 0 : i32
    return %c0_i32, %c0_i32_0 : i32, i32
  }
  func.func @transform_30(%arg0: i32) -> (i32, i32) {
    %c0_i32 = arith.constant 0 : i32
    %c0_i32_0 = arith.constant 0 : i32
    %c0_i32_1 = arith.constant 0 : i32
    return %c0_i32, %c0_i32_0 : i32, i32
  }
  func.func @transform_31(%arg0: i32) -> (i32, i32) {
    %c0_i32 = arith.constant 0 : i32
    %c0_i32_0 = arith.constant 0 : i32
    %c0_i32_1 = arith.constant 0 : i32
    return %c0_i32, %c0_i32_0 : i32, i32
  }
  func.func @transform_32(%arg0: i32) -> (i32, i32) {
    %c0_i32 = arith.constant 0 : i32
    %c0_i32_0 = arith.constant 0 : i32
    %c0_i32_1 = arith.constant 0 : i32
    return %c0_i32, %c0_i32_0 : i32, i32
  }
  func.func @transform_33(%arg0: i32) -> (i32, i32) {
    %c0_i32 = arith.constant 0 : i32
    %c0_i32_0 = arith.constant 0 : i32
    %c0_i32_1 = arith.constant 0 : i32
    return %c0_i32, %c0_i32_0 : i32, i32
  }
  func.func @transform_34(%arg0: i32) -> (i32, i32) {
    %c0_i32 = arith.constant 0 : i32
    %c0_i32_0 = arith.constant 0 : i32
    %c0_i32_1 = arith.constant 0 : i32
    return %c0_i32, %c0_i32_0 : i32, i32
  }
  func.func @transform_35(%arg0: i32) -> (i32, i32) {
    %c0_i32 = arith.constant 0 : i32
    %c0_i32_0 = arith.constant 0 : i32
    %c0_i32_1 = arith.constant 0 : i32
    return %c0_i32, %c0_i32_0 : i32, i32
  }
  func.func @transform_36(%arg0: i32) -> (i32, i32) {
    %c0_i32 = arith.constant 0 : i32
    %c0_i32_0 = arith.constant 0 : i32
    %c0_i32_1 = arith.constant 0 : i32
    return %c0_i32, %c0_i32_0 : i32, i32
  }
  func.func @transform_37(%arg0: i32) -> (i32, i32) {
    %c0_i32 = arith.constant 0 : i32
    %c0_i32_0 = arith.constant 0 : i32
    %c0_i32_1 = arith.constant 0 : i32
    return %c0_i32, %c0_i32_0 : i32, i32
  }
  func.func @transform_38(%arg0: i32) -> (i32, i32) {
    %c0_i32 = arith.constant 0 : i32
    %c0_i32_0 = arith.constant 0 : i32
    %c0_i32_1 = arith.constant 0 : i32
    return %c0_i32, %c0_i32_0 : i32, i32
  }
  func.func @transform_39(%arg0: i32) -> (i32, i32) {
    %c0_i32 = arith.constant 0 : i32
    %c0_i32_0 = arith.constant 0 : i32
    %c0_i32_1 = arith.constant 0 : i32
    return %c0_i32, %c0_i32_0 : i32, i32
  }
  func.func @transform_40(%arg0: i32) -> (i32, i32) {
    %c0_i32 = arith.constant 0 : i32
    %c0_i32_0 = arith.constant 0 : i32
    %c0_i32_1 = arith.constant 0 : i32
    return %c0_i32, %c0_i32_0 : i32, i32
  }
  func.func @transform_41(%arg0: i32) -> (i32, i32) {
    %c0_i32 = arith.constant 0 : i32
    %c0_i32_0 = arith.constant 0 : i32
    %c0_i32_1 = arith.constant 0 : i32
    return %c0_i32, %c0_i32_0 : i32, i32
  }
  func.func @transform_42(%arg0: i32) -> (i32, i32) {
    %c0_i32 = arith.constant 0 : i32
    %c0_i32_0 = arith.constant 0 : i32
    %c0_i32_1 = arith.constant 0 : i32
    return %c0_i32, %c0_i32_0 : i32, i32
  }
  func.func @transform_43(%arg0: i32) -> (i32, i32) {
    %c0_i32 = arith.constant 0 : i32
    %c0_i32_0 = arith.constant 0 : i32
    return %arg0, %c0_i32 : i32, i32
  }
  func.func @transform_44(%arg0: i32) -> (i32, i32) {
    %c0_i32 = arith.constant 0 : i32
    %c0_i32_0 = arith.constant 0 : i32
    return %arg0, %c0_i32 : i32, i32
  }
}

</mosaic_0001>

<sc_bundles>
// kernel: kernel.6.cloned.1.call-start
scs
__scs_entry_jumppad:
0x0: {  	(pc) =	sbr.rel $0x88, $3  }
0x1: {  	(tag) =	ssettag $0x0;
	lr =	simm.s32 $0x1  }
0x2: {  	[smem:$0x3F86] =	sst lr;
	_ =	strace $0xD0000000  }
0x3: {  	_ = 	snop  }
0x4: {  	_ = 	snop  }
0x5: {  	_ = 	snop  }
0x6: {  	_ = 	snop  }
0x7: {  	_ = 	snop  }
__scs_overlays_trampoline_lowered:
0x8: {  	[smem:$0x3F95] =	sst s0  }
0x9: {  	[smem:$0x3F96] =	sst s1  }
0xa: {  	[smem:$0x3F97] =	sst s2  }
0xb: {  	[smem:$0x3F98] =	sst s3  }
0xc: {  	[smem:$0x3F99] =	sst s4  }
0xd: {  	[smem:$0x3F9A] =	sst s5  }
0xe: {  	[smem:$0x3F9B] =	sst s6  }
0xf: {  	[smem:$0x3F9C] =	sst s7  }
0x10: {  	[smem:$0x3F9D] =	sst s8  }
0x11: {  	[smem:$0x3F9E] =	sst s9;
	s0 =	simm.s32 @!p0 $0x0  }
0x12: {  	s1 =	sld [smem:$0x3F84];
	s0 =	simm.s32 @p0 $0x1  }
0x13: {  	[smem:$0x3F9F] =	sst s0;
	s0 =	simm.s32 @!p1 $0x0  }
0x14: {  	s2 =	sld [smem:$0x3F83];
	s0 =	simm.s32 @p1 $0x1  }
0x15: {  	[smem:$0x3FA0] =	sst s0;
	s0 =	simm.s32 @!p2 $0x0  }
0x16: {  	s3 =	sld [smem:$0x3FDB];
	s0 =	simm.s32 @p2 $0x1  }
0x17: {  	s4 =	simm.s32 $0x1BF5;
	[smem:$0x3FA2] =	sst s0  }
0x18: {  	s0 =	sld [smem:$0x3F85];
	_ =	swait.ge [sflag:s4], $0x0  }
0x19: {  	s7 =	sld [smem:$0x3F86]  }
0x1a: {  	s8 =	sadd.s32 $0xFFFFE003, lr  }
0x1b: {  	s9 =	sadd.s32 $0xFFFFFEF7, lr;
	s5 =	simm.s32 $0xFFFFFFFF;
	p2 =	slt.u32 s8, $0xFFFFF086  }
0x1c: {  	p1 =	slt.u32 s9, $0xF7A;
	s5 =	simm.s32 @!p2 $0x0  }
0x1d: {  	s5 =	simm.s32 @p1 $0x1;
	p0 =	seq.s32 s7, s2  }
0x1e: {  	s7 =	smul.u32 @!p0 $0xF7A, s2;
	p2 =	seq.s32 @!p0 s5, $0x0  }
0x1f: {  	s9 =	smul.u32 $0xF7A, s1;
	s8 =	simm.s32 @!p0 $0x1BF5;
	p2 =	por !p2, p0  }
0x20: {  	[sflag:s8] =	ssyncset.s32 @!p0 $0xFFFFF086;
	s6 =	sadd.s32 @!p0 s3, s7;
	s7 =	simm.s32 @!p0 $0x108  }
0x21: {  	s3 =	sadd.s32 s3, s9;
	s6 =	sadd.s32 @!p0 $0x88, s6;
	s7 =	simm.s32 @p2 $0x1082  }
0x22: {  	[simem:s7], [sflag:s8] =	dma.local @!p0 [hbm:s6], $0xF7A  }
0x23: {  	s9 =	sor.u32 $0xD0000000, s2;
	s6 =	simm.s32 $0x108;
	_ =	swait.ge @!p0 [sflag:s8], $0x0  }
0x24: {  	s3 =	sadd.s32 $0x88, s3;
	s6 =	simm.s32 @!p1 $0x1082;
	[sflag:s4] =	ssyncset.s32 $0xFFFFF086  }
0x25: {  	[simem:s6], [sflag:s4] =	dma.local [hbm:s3], $0xF7A  }
0x26: {  	[smem:$0x3F86] =	sst s1;
	(tag) =	ssettag s2;
	_ =	strace s9  }
0x27: {  	s1 =	sld [smem:$0x3F96]  }
0x28: {  	s2 =	sld [smem:$0x3F97]  }
0x29: {  	s4 =	sld [smem:$0x3F99]  }
0x2a: {  	p0 =	seq.s32 s5, $0x0;
	s5 =	sld [smem:$0x3F9A]  }
0x2b: {  	s6 =	sld [smem:$0x3F9B]  }
0x2c: {  	s7 =	sld [smem:$0x3F9C]  }
0x2d: {  	s3 =	simm.s32 $0x108;
	s8 =	sld [smem:$0x3F9D]  }
0x2e: {  	s3 =	simm.s32 @!p0 $0x1082;
	s9 =	sld [smem:$0x3F9E]  }
0x2f: {  	lr =	sadd.s32 s0, s3;
	s0 =	sld [smem:$0x3F95]  }
0x30: {  	s3 =	sld [smem:$0x3F98]  }
0x31: {  	[smem:$0x3FA1] =	sst s10  }
0x32: {  	s10 =	sld [smem:$0x3F9F];
	_ =	sdelay $0x3  }
0x33: {  	p0 =	seq.s32 s10, $0x1;
	s10 =	sld [smem:$0x3FA1];
	_ =	sdelay $0x3  }
0x34: {  	[smem:$0x3FA1] =	sst s10  }
0x35: {  	s10 =	sld [smem:$0x3FA0];
	_ =	sdelay $0x3  }
0x36: {  	p1 =	seq.s32 s10, $0x1;
	s10 =	sld [smem:$0x3FA1];
	_ =	sdelay $0x3  }
0x37: {  	[smem:$0x3FA1] =	sst s10  }
0x38: {  	s10 =	sld [smem:$0x3FA2]  }
0x39: {  	_ = 	snop;
	(pc) =	sbr.ind lr, $3  }
0x3a: {  	_ = 	snop  }
0x3b: {  	_ = 	snop  }
0x3c: {  	p2 =	seq.s32 s10, $0x1;
	s10 =	sld [smem:$0x3FA1]  }
0x3d: {  	_ =	shalt  }
0x3e: {  	_ =	shalt  }
0x3f: {  	_ =	shalt  }
0x40: {  	_ =	shalt  }
0x41: {  	_ =	shalt  }
0x42: {  	_ =	shalt  }
0x43: {  	_ =	shalt  }
0x44: {  	_ =	shalt  }
0x45: {  	_ =	shalt  }
0x46: {  	_ =	shalt  }
0x47: {  	_ =	shalt  }
0x48: {  	_ =	shalt  }
0x49: {  	_ =	shalt  }
0x4a: {  	_ =	shalt  }
0x4b: {  	_ =	shalt  }
0x4c: {  	_ =	shalt  }
0x4d: {  	_ =	shalt  }
0x4e: {  	_ =	shalt  }
0x4f: {  	_ =	shalt  }
0x50: {  	_ =	shalt  }
0x51: {  	_ =	shalt  }
0x52: {  	_ =	shalt  }
0x53: {  	_ =	shalt  }
0x54: {  	_ =	shalt  }
0x55: {  	_ =	shalt  }
0x56: {  	_ =	shalt  }
0x57: {  	_ =	shalt  }
0x58: {  	_ =	shalt  }
0x59: {  	_ =	shalt  }
0x5a: {  	_ =	shalt  }
0x5b: {  	_ =	shalt  }
0x5c: {  	_ =	shalt  }
0x5d: {  	_ =	shalt  }
0x5e: {  	_ =	shalt  }
0x5f: {  	_ =	shalt  }
0x60: {  	_ =	shalt  }
0x61: {  	_ =	shalt  }
0x62: {  	_ =	shalt  }
0x63: {  	_ =	shalt  }
0x64: {  	_ =	shalt  }
0x65: {  	_ =	shalt  }
0x66: {  	_ =	shalt  }
0x67: {  	_ =	shalt  }
0x68: {  	_ =	shalt  }
0x69: {  	_ =	shalt  }
0x6a: {  	_ =	shalt  }
0x6b: {  	_ =	shalt  }
0x6c: {  	_ =	shalt  }
0x6d: {  	_ =	shalt  }
0x6e: {  	_ =	shalt  }
0x6f: {  	_ =	shalt  }
0x70: {  	_ =	shalt  }
0x71: {  	_ =	shalt  }
0x72: {  	_ =	shalt  }
0x73: {  	_ =	shalt  }
0x74: {  	_ =	shalt  }
0x75: {  	_ =	shalt  }
0x76: {  	_ =	shalt  }
0x77: {  	_ =	shalt  }
0x78: {  	_ =	shalt  }
0x79: {  	_ =	shalt  }
0x7a: {  	_ =	shalt  }
0x7b: {  	_ =	shalt  }
0x7c: {  	_ =	shalt  }
0x7d: {  	_ =	shalt  }
0x7e: {  	_ =	shalt  }
0x7f: {  	_ =	shalt  }
0x80: {  	_ =	shalt  }
0x81: {  	_ =	shalt  }
0x82: {  	_ =	shalt  }
0x83: {  	_ =	shalt  }
0x84: {  	_ =	shalt  }
0x85: {  	_ =	shalt  }
0x86: {  	_ =	shalt  }
0x87: {  	_ =	shalt  }
.Lfunc_end0:
.L_simem_size_0:
called_computation_lowered:
.L_overlay_start_0:
0x88: {  	s2 =	sld [smem:$0x3FD9]  }
0x89: {  	s3 =	sld [smem:$0x3FFE];
	_ =	sdelay $0x1  }
0x8a: {  	s1 =	srdreg.scid  }
0x8b: {  	s0 =	sand.u32 $0x1, s1  }
0x8c: {  	s17 =	sshll.u32 s0, $0xA;
	s2 =	sadd.s32 s3, s2  }
0x8d: {  	s2 =	sadd.s32 s2, s17  }
0x8e: {  	[smem:$0x3FAD] =	sst s2  }
0x8f: {  	_ = 	snop  }
0x90: {  	s18 =	sld [smem:$0x3FC8];
	(tm) =	ssettm $0x1  }
0x91: {  	s19 =	sld [smem:$0x3FFB];
	_ =	sdelay $0x3  }
0x92: {  	_ =	strace s19  }
0x93: {  	s2 =	sld [smem:$0x3FFC];
	_ =	sdelay $0x3  }
0x94: {  	_ =	strace s2  }
0x95: {  	s2 =	sld [smem:$0x3FFD];
	_ =	sdelay $0x3  }
0x96: {  	_ =	strace s2  }
0x97: {  	_ =	strace $0x8FFFFFFF  }
0x98: {  	s20 =	sld [smem:$0x3FDB];
	_ =	sdelay $0x1  }
0x99: {  	s4 =	simm.s32 $_scs_section_size  }
0x9a: {  	s5 =	simm.s32 $_size__tile_overlayer_lowered;
	s6 =	simm.s32 $_tile_overlayer_lowered  }
0x9b: {  	s7 =	simm.s32 $0x1BFF;
	s21 =	sshll.u32 s6, $0x1;
	s4 =	sadd.s32 s4, s20  }
0x9c: {  	s22 =	simm.s32 $0x0;
	s5 =	sshll.u32 s5, $0x1;
	s6 =	sadd.s32 s21, s4  }
0x9d: {  	[timem:s22], [sflag:s7] =	dma.local [hbm:s6], s5  }
0x9e: {  	_ =	swait.ge [sflag:s7], s5  }
0x9f: {  	s5 =	ssub.s32 $0x0, s5;
	[sflag:s7] =	ssyncset.done $0x0  }
0xa0: {  	[sflag:s7] =	ssyncadd.s32 s5;
	_ =	sdelay $0x1  }
0xa1: {  	s23 =	simm.s32 $0x1B8B  }
0xa2: {  	_ =	swait.ge [sflag:s23], $0x1  }
0xa3: {  	[sflag:s23] =	ssyncset.done $0x0  }
0xa4: {  	[sflag:s23] =	ssyncadd.s32 $0xFFFFFFFF  }
0xa5: {  	s5 =	sld [smem:$0x0]  }
0xa6: {  	s6 =	sand.u32 $0xFFFFFFFE, s1  }
0xa7: {  	p0 =	sne.s32 s1, s6  }
0xa8: {  	s6 =	sshll.u32 @p0 s6, $0xE  }
0xa9: {  	s6 =	sadd.s32 @p0 $0x11B8D, s6;
	s7 =	sshll.u32 @p0 s5, $0x11  }
0xaa: {  	s6 =	sor.u32 @p0 s7, s6  }
0xab: {  	[sflag:s6] =	ssyncadd.remote.s32 @p0 $0x1;
	_ =	sdelay $0x1  }
0xac: {  	s6 =	simm.s32 @p0 $0x1B8D  }
0xad: {  	_ =	swait.eq @p0 [sflag:s6], $0x1  }
0xae: {  	[sflag:s6] =	ssyncadd.s32 @p0 $0xFFFFFFFF  }
0xaf: {  	s7 =	sshll.u32 @!p0 s1, $0xE  }
0xb0: {  	s7 =	sor.u32 @!p0 $0x4000, s7;
	s6 =	simm.s32 @!p0 $0x1B8D  }
0xb1: {  	s5 =	sshll.u32 @!p0 s5, $0x11;
	s7 =	sadd.s32 @!p0 $0x11B8D, s7;
	_ =	swait.eq @!p0 [sflag:s6], $0x1  }
0xb2: {  	s5 =	sor.u32 @!p0 s5, s7;
	[sflag:s6] =	ssyncadd.s32 @!p0 $0xFFFFFFFF  }
0xb3: {  	s25 =	simm.s32 $0x1B8E;
	s24 =	sld [smem:$0x3FFE];
	[sflag:s5] =	ssyncadd.remote.s32 @!p0 $0x1  }
0xb4: {  	s26 =	simm.s32 $execute0_lowered;
	[smem:$0x3FD2] =	sst s25  }
0xb5: {  	s6 =	sshll.u32 s26, $0x1;
	_ =	strace $0x80000049;
	[dreg:$0x1] =	wrdreg $0xFFFFFFFF  }
0xb6: {  	s28 =	simm.s32 $_size_execute0_lowered;
	s4 =	sadd.s32 s4, s6;
	[dreg:$0x0] =	wrdreg $0x0  }
0xb7: {  	s6 =	sshll.u32 s28, $0x1;
	[dreg:$0x2] =	wrdreg s4  }
0xb8: {  	[dreg:$0x3] =	wrdreg s6  }
0xb9: {  	[dreg:$0x4] =	wrdreg $0xC0  }
0xba: {  	_ =	task [dreg:s22], $0x5FFFF  }
0xbb: {  	[dreg:$0x1] =	wrdreg $0xFFFFFFFF  }
0xbc: {  	[dreg:$0x0] =	wrdreg $0x60  }
0xbd: {  	[dreg:$0x2] =	wrdreg s24  }
0xbe: {  	[dreg:$0x3] =	wrdreg s18  }
0xbf: {  	[dreg:$0x4] =	wrdreg $0x9  }
0xc0: {  	_ =	task.clear_ibuf [dreg:s22], $0x5FFFF;
	_ =	strace $0x90000049  }
0xc1: {  	s29 =	simm.s32 $0x9;
	_ =	strace $0x8000004B  }
0xc2: {  	_ =	swait.ge [sflag:s29], $0x1  }
0xc3: {  	[sflag:s29] =	ssyncadd.s32 $0xFFFFFFFF  }
0xc4: {  	_ =	strace $0x9000004B  }
0xc5: {  	_ =	sfence  }
0xc6: {  	s30 =	sld [smem:$0x0];
	_ =	sdelay $0x2  }
0xc7: {  	s31 =	sshll.u32 s1, $0xD;
	s1 =	sshrl.u32 s1, $0x2  }
0xc8: {  	s4 =	sand.u32 $0x4000, s31;
	s1 =	sadd.s32 s1, s30  }
0xc9: {  	s0 =	sor.u32 s4, s0;
	s1 =	sshll.u32 s1, $0x11  }
0xca: {  	s0 =	sor.u32 s1, s0  }
0xcb: {  	s0 =	sadd.s32 $0x8F2B, s0  }
0xcc: {  	[sflag:s0] =	ssyncadd.remote.s32 $0x1  }
0xcd: {  	_ =	sfence.sel $0xFFFF  }
0xce: {  	[dreg:$0x0] =	wrdreg $0xFFFFFFFF;
	(pc) =	sbr.abs _section_cstart, $3  }
0xcf: {  	[dreg:$0x1] =	wrdreg $0xFFFFFFFF  }
0xd0: {  	_ =	task.clear_ibuf [dreg:s22], $0x2FFFF;
	_ =	strace $0x9FFFFFFF  }
0xd1: {  	(tm) =	ssettm $0x7FFFFFFF  }
tec
execute0_lowered:
.L_overlay_start_1:
0x0: {  	(tag) =	ssettag $0x1  }
0x1: {  	s1 =	srdreg.scid;
	s4 =	rddreg [dreg:$0x0]  }
0x2: {  	s0 =	stileid.u32;
	s6 =	rddreg [dreg:$0x1];
	s2 =	simm.s32 $0x0  }
0x3: {  	s13 =	simm.s32 $0x1800;
	s14 =	simm.s32 $0x2000;
	s15 =	simm.s32 $0x2800  }
0x4: {  	s16 =	simm.s32 $0x3000;
	s17 =	simm.s32 $0x3800;
	s18 =	simm.s32 $0x4000  }
0x5: {  	s19 =	simm.s32 $0x4800;
	s20 =	simm.s32 $0x5000;
	s21 =	simm.s32 $0x5800  }
0x6: {  	s22 =	simm.s32 $0x6000;
	s23 =	simm.s32 $0x6800;
	s24 =	simm.s32 $0x1  }
0x7: {  	s5 =	sand.u32 $0x1, s1;
	s30 =	sshll.u32 s0, $0x1;
	s10 =	smul.u32 $0x3C000, s0  }
0x8: {  	s1 =	rddreg [dreg:$0x2];
	s7 =	sor.u32 s5, s30;
	s12 =	smul.u32 $0x1E000, s5  }
0x9: {  	s25 =	simm.s32 $0x0;
	[smem:$0x7FF] =	sst s2;
	s3 =	smul.u32 $0xF00, s7  }
0xa: {  	_ =	strace $0x8000004A;
	s11 =	ssub.s32 $0x2, s5;
	s9 =	smul.u32 $0x1800, s7  }
0xb: {  	s7 =	smul.u32 $0x18, s7;
	s10 =	sadd.s32 s10, s4;
	s31 =	sshrl.u32 s11, $0x1  }
0xc: {  	s11 =	ssub.s32 s11, s31;
	s10 =	sadd.s32 s12, s10;
	s12 =	simm.s32 $0x1000  }
0xd: {  	s8 =	sshrl.u32 s3, $0x3;
	s3 =	sadd.s32 $0x46A00, s4;
	s9 =	sadd.s32 s9, s4  }
0xe: {  	v2 =	vlaneseq.u32;
	s8 =	sadd.s32 s8, s4;
	s4 =	sadd.s32 s6, s7;
	s6 =	smax.u32 s11, $0x1  }
0xf: {  	vm0 =	vmmov $0xffff;
	v1 =	vshrl.u32 v2, $0x3;
	s7 =	sadd.s32 $0x1CD400, s9;
	s11 =	simm.s32 $0x100;
	s5 =	sadd.s32 $0x42E00, s8  }
0x10: {  	v0 =	vand.u32 $0x7, v2;
	v2 =	vor.u32 $0x8, v2;
	v1 =	vmul.u32 $0x8, v1;
	s8 =	sadd.s32 $0x1CE000, s9;
	s9 =	sadd.s32 $0x1FD400, s10;
	s10 =	simm.s32 $0x2  }
.LBB2_1:
0x11: {  	[tilespmem:s2], [sflag:$0x2] =	stream.linear.gather [hbm4b:s4+s2], $0xC0, $0x38;
	[tilespmem:$0x7000] =	vst v63  }
0x12: {  	_ =	swait.ge [sflag:s10], $0xC0  }
0x13: {  	[sflag:s10] =	ssyncset.done $0x0  }
0x14: {  	[sflag:s10] =	ssyncadd.s32 $0xFFFFFF40  }
0x15: {  	[tilespmem:s11], [sflag:$0x2] =	stream.linear.gather [hbm4b:s5+s2], $0xF00, $0x38;
	[tilespmem:$0x7000] =	vst v63  }
0x16: {  	_ =	swait.ge [sflag:s10], $0xF00  }
0x17: {  	[sflag:s10] =	ssyncset.done $0x0  }
0x18: {  	[sflag:s10] =	ssyncadd.s32 $0xFFFFF100  }
0x19: {  	v3 =	vld [tilespmem:$0x0];
	_ =	sdelay $0x4  }
0x1a: {  	v4 =	vshll.u32 v3, $0x1  }
0x1b: {  	v3 =	vand.u32 $0x7, v3;
	v4 =	vand.u32 $0xFFFFFFF0, v4  }
0x1c: {  	v3 =	vor.u32 v3, v4  }
0x1d: {  	v4 =	vperm.xlane v3, v0;
	_ =	sdelay $0x1  }
0x1e: {  	v3 =	vperm.xlane v3, v2;
	v4 =	vadd.s32 v1, v4;
	_ =	sdelay $0x1  }
0x1f: {  	v3 =	vadd.s32 v1, v3;
	_ =	sdelay $0x2  }
0x20: {  	[tilespmem:s12], [sflag:$0x1] =	stream.indirect_vreg.gather [hbm4b:s3+s2], $0x80, v4, vm0, $0xb8;
	[tilespmem:$0x7000] =	vst v63  }
0x21: {  	_ = 	snop  }
0x22: {  	[tilespmem:s13], [sflag:$0x1] =	stream.indirect_vreg.gather [hbm4b:s3+s2], $0x80, v3, vm0, $0xb8;
	[tilespmem:$0x7000] =	vst v63  }
0x23: {  	v3 =	vld [tilespmem:$0x10];
	_ =	sdelay $0x4  }
0x24: {  	v53 =	vshll.u32 v3, $0x1  }
0x25: {  	v3 =	vand.u32 $0x7, v3;
	v4 =	vand.u32 $0xFFFFFFF0, v53  }
0x26: {  	v3 =	vor.u32 v3, v4  }
0x27: {  	v4 =	vperm.xlane v3, v0;
	_ =	sdelay $0x1  }
0x28: {  	v3 =	vperm.xlane v3, v2;
	v4 =	vadd.s32 v1, v4;
	_ =	sdelay $0x1  }
0x29: {  	v3 =	vadd.s32 v1, v3;
	_ =	sdelay $0x2  }
0x2a: {  	[tilespmem:s14], [sflag:$0x1] =	stream.indirect_vreg.gather [hbm4b:s3+s2], $0x80, v4, vm0, $0xb8;
	[tilespmem:$0x7000] =	vst v63  }
0x2b: {  	_ = 	snop  }
0x2c: {  	[tilespmem:s15], [sflag:$0x1] =	stream.indirect_vreg.gather [hbm4b:s3+s2], $0x80, v3, vm0, $0xb8;
	[tilespmem:$0x7000] =	vst v63  }
0x2d: {  	v3 =	vld [tilespmem:$0x20];
	_ =	sdelay $0x4  }
0x2e: {  	v54 =	vshll.u32 v3, $0x1  }
0x2f: {  	v3 =	vand.u32 $0x7, v3;
	v4 =	vand.u32 $0xFFFFFFF0, v54  }
0x30: {  	v3 =	vor.u32 v3, v4  }
0x31: {  	v4 =	vperm.xlane v3, v0;
	_ =	sdelay $0x1  }
0x32: {  	v3 =	vperm.xlane v3, v2;
	v4 =	vadd.s32 v1, v4;
	_ =	sdelay $0x1  }
0x33: {  	v3 =	vadd.s32 v1, v3;
	_ =	sdelay $0x2  }
0x34: {  	[tilespmem:s16], [sflag:$0x1] =	stream.indirect_vreg.gather [hbm4b:s3+s2], $0x80, v4, vm0, $0xb8;
	[tilespmem:$0x7000] =	vst v63  }
0x35: {  	_ = 	snop  }
0x36: {  	[tilespmem:s17], [sflag:$0x1] =	stream.indirect_vreg.gather [hbm4b:s3+s2], $0x80, v3, vm0, $0xb8;
	[tilespmem:$0x7000] =	vst v63  }
0x37: {  	v3 =	vld [tilespmem:$0x30];
	_ =	sdelay $0x4  }
0x38: {  	v55 =	vshll.u32 v3, $0x1  }
0x39: {  	v3 =	vand.u32 $0x7, v3;
	v4 =	vand.u32 $0xFFFFFFF0, v55  }
0x3a: {  	v3 =	vor.u32 v3, v4  }
0x3b: {  	v4 =	vperm.xlane v3, v0;
	_ =	sdelay $0x1  }
0x3c: {  	v3 =	vperm.xlane v3, v2;
	v4 =	vadd.s32 v1, v4;
	_ =	sdelay $0x1  }
0x3d: {  	v3 =	vadd.s32 v1, v3;
	_ =	sdelay $0x2  }
0x3e: {  	[tilespmem:s18], [sflag:$0x1] =	stream.indirect_vreg.gather [hbm4b:s3+s2], $0x80, v4, vm0, $0xb8;
	[tilespmem:$0x7000] =	vst v63  }
0x3f: {  	_ = 	snop  }
0x40: {  	[tilespmem:s19], [sflag:$0x1] =	stream.indirect_vreg.gather [hbm4b:s3+s2], $0x80, v3, vm0, $0xb8;
	[tilespmem:$0x7000] =	vst v63  }
0x41: {  	v3 =	vld [tilespmem:$0x40];
	_ =	sdelay $0x4  }
0x42: {  	v56 =	vshll.u32 v3, $0x1  }
0x43: {  	v3 =	vand.u32 $0x7, v3;
	v4 =	vand.u32 $0xFFFFFFF0, v56  }
0x44: {  	v3 =	vor.u32 v3, v4  }
0x45: {  	v4 =	vperm.xlane v3, v0;
	_ =	sdelay $0x1  }
0x46: {  	v3 =	vperm.xlane v3, v2;
	v4 =	vadd.s32 v1, v4;
	_ =	sdelay $0x1  }
0x47: {  	v3 =	vadd.s32 v1, v3;
	_ =	sdelay $0x2  }
0x48: {  	[tilespmem:s20], [sflag:$0x1] =	stream.indirect_vreg.gather [hbm4b:s3+s2], $0x80, v4, vm0, $0xb8;
	[tilespmem:$0x7000] =	vst v63  }
0x49: {  	_ = 	snop  }
0x4a: {  	[tilespmem:s21], [sflag:$0x1] =	stream.indirect_vreg.gather [hbm4b:s3+s2], $0x80, v3, vm0, $0xb8;
	[tilespmem:$0x7000] =	vst v63  }
0x4b: {  	v3 =	vld [tilespmem:$0x50];
	_ =	sdelay $0x4  }
0x4c: {  	v57 =	vshll.u32 v3, $0x1  }
0x4d: {  	v3 =	vand.u32 $0x7, v3;
	v4 =	vand.u32 $0xFFFFFFF0, v57  }
0x4e: {  	v3 =	vor.u32 v3, v4  }
0x4f: {  	v4 =	vperm.xlane v3, v0;
	_ =	sdelay $0x1  }
0x50: {  	v3 =	vperm.xlane v3, v2;
	v4 =	vadd.s32 v1, v4;
	_ =	sdelay $0x1  }
0x51: {  	v3 =	vadd.s32 v1, v3;
	_ =	sdelay $0x2  }
0x52: {  	[tilespmem:s22], [sflag:$0x1] =	stream.indirect_vreg.gather [hbm4b:s3+s2], $0x80, v4, vm0, $0xb8;
	[tilespmem:$0x7000] =	vst v63  }
0x53: {  	_ = 	snop  }
0x54: {  	[tilespmem:s23], [sflag:$0x1] =	stream.indirect_vreg.gather [hbm4b:s3+s2], $0x80, v3, vm0, $0xb8;
	[tilespmem:$0x7000] =	vst v63  }
0x55: {  	_ =	swait.ge [sflag:s24], $0x6000  }
0x56: {  	[sflag:s24] =	ssyncset.done $0x0  }
0x57: {  	[sflag:s24] =	ssyncadd.s32 $0xFFFFA000  }
0x58: {  	[hbm4b:s7+s2] =	stream.linear.scatter [tilespmem:s12], [sflag:$0x2], $0x6000, $0x38;
	[tilespmem:$0x7000] =	vst v63  }
0x59: {  	_ =	swait.ge [sflag:s10], $0x6000  }
0x5a: {  	[sflag:s10] =	ssyncset.done $0x0  }
0x5b: {  	[sflag:s10] =	ssyncadd.s32 $0xFFFFA000  }
0x5c: {  	v3 =	vld [tilespmem:$0x60];
	_ =	sdelay $0x4  }
0x5d: {  	v58 =	vshll.u32 v3, $0x1  }
0x5e: {  	v3 =	vand.u32 $0x7, v3;
	v4 =	vand.u32 $0xFFFFFFF0, v58  }
0x5f: {  	v3 =	vor.u32 v3, v4  }
0x60: {  	v4 =	vperm.xlane v3, v0;
	_ =	sdelay $0x1  }
0x61: {  	v3 =	vperm.xlane v3, v2;
	v4 =	vadd.s32 v1, v4;
	_ =	sdelay $0x1  }
0x62: {  	v3 =	vadd.s32 v1, v3;
	_ =	sdelay $0x2  }
0x63: {  	[tilespmem:s12], [sflag:$0x1] =	stream.indirect_vreg.gather [hbm4b:s3+s2], $0x80, v4, vm0, $0xb8;
	[tilespmem:$0x7000] =	vst v63  }
0x64: {  	_ = 	snop  }
0x65: {  	[tilespmem:s13], [sflag:$0x1] =	stream.indirect_vreg.gather [hbm4b:s3+s2], $0x80, v3, vm0, $0xb8;
	[tilespmem:$0x7000] =	vst v63  }
0x66: {  	v3 =	vld [tilespmem:$0x70];
	_ =	sdelay $0x4  }
0x67: {  	v59 =	vshll.u32 v3, $0x1  }
0x68: {  	v3 =	vand.u32 $0x7, v3;
	v4 =	vand.u32 $0xFFFFFFF0, v59  }
0x69: {  	v3 =	vor.u32 v3, v4  }
0x6a: {  	v4 =	vperm.xlane v3, v0;
	_ =	sdelay $0x1  }
0x6b: {  	v3 =	vperm.xlane v3, v2;
	v4 =	vadd.s32 v1, v4;
	_ =	sdelay $0x1  }
0x6c: {  	v3 =	vadd.s32 v1, v3;
	_ =	sdelay $0x2  }
0x6d: {  	[tilespmem:s14], [sflag:$0x1] =	stream.indirect_vreg.gather [hbm4b:s3+s2], $0x80, v4, vm0, $0xb8;
	[tilespmem:$0x7000] =	vst v63  }
0x6e: {  	_ = 	snop  }
0x6f: {  	[tilespmem:s15], [sflag:$0x1] =	stream.indirect_vreg.gather [hbm4b:s3+s2], $0x80, v3, vm0, $0xb8;
	[tilespmem:$0x7000] =	vst v63  }
0x70: {  	v3 =	vld [tilespmem:$0x80];
	_ =	sdelay $0x4  }
0x71: {  	v60 =	vshll.u32 v3, $0x1  }
0x72: {  	v3 =	vand.u32 $0x7, v3;
	v4 =	vand.u32 $0xFFFFFFF0, v60  }
0x73: {  	v3 =	vor.u32 v3, v4  }
0x74: {  	v4 =	vperm.xlane v3, v0;
	_ =	sdelay $0x1  }
0x75: {  	v3 =	vperm.xlane v3, v2;
	v4 =	vadd.s32 v1, v4;
	_ =	sdelay $0x1  }
0x76: {  	v3 =	vadd.s32 v1, v3;
	_ =	sdelay $0x2  }
0x77: {  	[tilespmem:s16], [sflag:$0x1] =	stream.indirect_vreg.gather [hbm4b:s3+s2], $0x80, v4, vm0, $0xb8;
	[tilespmem:$0x7000] =	vst v63  }
0x78: {  	_ = 	snop  }
0x79: {  	[tilespmem:s17], [sflag:$0x1] =	stream.indirect_vreg.gather [hbm4b:s3+s2], $0x80, v3, vm0, $0xb8;
	[tilespmem:$0x7000] =	vst v63  }
0x7a: {  	v3 =	vld [tilespmem:$0x90];
	_ =	sdelay $0x4  }
0x7b: {  	v61 =	vshll.u32 v3, $0x1  }
0x7c: {  	v3 =	vand.u32 $0x7, v3;
	v4 =	vand.u32 $0xFFFFFFF0, v61  }
0x7d: {  	v3 =	vor.u32 v3, v4  }
0x7e: {  	v4 =	vperm.xlane v3, v0;
	_ =	sdelay $0x1  }
0x7f: {  	v3 =	vperm.xlane v3, v2;
	v4 =	vadd.s32 v1, v4;
	_ =	sdelay $0x1  }
0x80: {  	v3 =	vadd.s32 v1, v3;
	_ =	sdelay $0x2  }
0x81: {  	[tilespmem:s18], [sflag:$0x1] =	stream.indirect_vreg.gather [hbm4b:s3+s2], $0x80, v4, vm0, $0xb8;
	[tilespmem:$0x7000] =	vst v63  }
0x82: {  	_ = 	snop  }
0x83: {  	[tilespmem:s19], [sflag:$0x1] =	stream.indirect_vreg.gather [hbm4b:s3+s2], $0x80, v3, vm0, $0xb8;
	[tilespmem:$0x7000] =	vst v63  }
0x84: {  	v3 =	vld [tilespmem:$0xA0];
	_ =	sdelay $0x4  }
0x85: {  	v62 =	vshll.u32 v3, $0x1  }
0x86: {  	v3 =	vand.u32 $0x7, v3;
	v4 =	vand.u32 $0xFFFFFFF0, v62  }
0x87: {  	v3 =	vor.u32 v3, v4  }
0x88: {  	v4 =	vperm.xlane v3, v0;
	_ =	sdelay $0x1  }
0x89: {  	v3 =	vperm.xlane v3, v2;
	v4 =	vadd.s32 v1, v4;
	_ =	sdelay $0x1  }
0x8a: {  	v3 =	vadd.s32 v1, v3;
	_ =	sdelay $0x2  }
0x8b: {  	[tilespmem:s20], [sflag:$0x1] =	stream.indirect_vreg.gather [hbm4b:s3+s2], $0x80, v4, vm0, $0xb8;
	[tilespmem:$0x7000] =	vst v63  }
0x8c: {  	_ = 	snop  }
0x8d: {  	[tilespmem:s21], [sflag:$0x1] =	stream.indirect_vreg.gather [hbm4b:s3+s2], $0x80, v3, vm0, $0xb8;
	[tilespmem:$0x7000] =	vst v63  }
0x8e: {  	v3 =	vld [tilespmem:$0xB0];
	_ =	sdelay $0x4  }
0x8f: {  	v63 =	vshll.u32 v3, $0x1  }
0x90: {  	v3 =	vand.u32 $0x7, v3;
	v4 =	vand.u32 $0xFFFFFFF0, v63  }
0x91: {  	v3 =	vor.u32 v3, v4  }
0x92: {  	v4 =	vperm.xlane v3, v0;
	_ =	sdelay $0x1  }
0x93: {  	v3 =	vperm.xlane v3, v2;
	v4 =	vadd.s32 v1, v4;
	_ =	sdelay $0x1  }
0x94: {  	v3 =	vadd.s32 v1, v3;
	_ =	sdelay $0x2  }
0x95: {  	[tilespmem:s22], [sflag:$0x1] =	stream.indirect_vreg.gather [hbm4b:s3+s2], $0x80, v4, vm0, $0xb8;
	[tilespmem:$0x7000] =	vst v63  }
0x96: {  	_ = 	snop  }
0x97: {  	[tilespmem:s23], [sflag:$0x1] =	stream.indirect_vreg.gather [hbm4b:s3+s2], $0x80, v3, vm0, $0xb8;
	[tilespmem:$0x7000] =	vst v63  }
0x98: {  	_ =	swait.ge [sflag:s24], $0x6000  }
0x99: {  	[sflag:s24] =	ssyncset.done $0x0  }
0x9a: {  	[sflag:s24] =	ssyncadd.s32 $0xFFFFA000  }
0x9b: {  	[hbm4b:s8+s2] =	stream.linear.scatter [tilespmem:s12], [sflag:$0x2], $0x6000, $0x38;
	[tilespmem:$0x7000] =	vst v63  }
0x9c: {  	_ =	swait.ge [sflag:s10], $0x6000  }
0x9d: {  	[sflag:s10] =	ssyncset.done $0x0  }
0x9e: {  	s26 =	simm.s32 $0x130;
	s28 =	simm.s32 $0x0;
	[sflag:s10] =	ssyncadd.s32 $0xFFFFA000  }
.LBB2_2:
0x9f: {  	v3 =	vld [tilespmem:s26+$0xFFFFFFD0];
	_ =	sdelay $0x4  }
0xa0: {  	v4 =	vshll.u32 v3, $0x1  }
0xa1: {  	v3 =	vand.u32 $0x7, v3;
	v4 =	vand.u32 $0xFFFFFFF0, v4  }
0xa2: {  	v3 =	vor.u32 v3, v4  }
0xa3: {  	v4 =	vperm.xlane v3, v0;
	_ =	sdelay $0x1  }
0xa4: {  	v3 =	vperm.xlane v3, v2;
	v4 =	vadd.s32 v1, v4;
	_ =	sdelay $0x1  }
0xa5: {  	v3 =	vadd.s32 v1, v3;
	_ =	sdelay $0x2  }
0xa6: {  	[tilespmem:s12], [sflag:$0x1] =	stream.indirect_vreg.gather [hbm4b:s3+s2], $0x80, v4, vm0, $0xb8;
	[tilespmem:$0x7000] =	vst v63  }
0xa7: {  	_ = 	snop  }
0xa8: {  	[tilespmem:s13], [sflag:$0x1] =	stream.indirect_vreg.gather [hbm4b:s3+s2], $0x80, v3, vm0, $0xb8;
	[tilespmem:$0x7000] =	vst v63  }
0xa9: {  	v3 =	vld [tilespmem:s26+$0xFFFFFFE0];
	_ =	sdelay $0x4  }
0xaa: {  	v59 =	vshll.u32 v3, $0x1  }
0xab: {  	v3 =	vand.u32 $0x7, v3;
	v4 =	vand.u32 $0xFFFFFFF0, v59  }
0xac: {  	v3 =	vor.u32 v3, v4  }
0xad: {  	v4 =	vperm.xlane v3, v0;
	_ =	sdelay $0x1  }
0xae: {  	v3 =	vperm.xlane v3, v2;
	v4 =	vadd.s32 v1, v4;
	_ =	sdelay $0x1  }
0xaf: {  	v3 =	vadd.s32 v1, v3;
	_ =	sdelay $0x2  }
0xb0: {  	[tilespmem:s14], [sflag:$0x1] =	stream.indirect_vreg.gather [hbm4b:s3+s2], $0x80, v4, vm0, $0xb8;
	[tilespmem:$0x7000] =	vst v63  }
0xb1: {  	_ = 	snop  }
0xb2: {  	[tilespmem:s15], [sflag:$0x1] =	stream.indirect_vreg.gather [hbm4b:s3+s2], $0x80, v3, vm0, $0xb8;
	[tilespmem:$0x7000] =	vst v63  }
0xb3: {  	v3 =	vld [tilespmem:s26+$0xFFFFFFF0];
	_ =	sdelay $0x4  }
0xb4: {  	v60 =	vshll.u32 v3, $0x1  }
0xb5: {  	v3 =	vand.u32 $0x7, v3;
	v4 =	vand.u32 $0xFFFFFFF0, v60  }
0xb6: {  	v3 =	vor.u32 v3, v4  }
0xb7: {  	v4 =	vperm.xlane v3, v0;
	_ =	sdelay $0x1  }
0xb8: {  	v3 =	vperm.xlane v3, v2;
	v4 =	vadd.s32 v1, v4;
	_ =	sdelay $0x1  }
0xb9: {  	v3 =	vadd.s32 v1, v3;
	_ =	sdelay $0x2  }
0xba: {  	[tilespmem:s16], [sflag:$0x1] =	stream.indirect_vreg.gather [hbm4b:s3+s2], $0x80, v4, vm0, $0xb8;
	[tilespmem:$0x7000] =	vst v63  }
0xbb: {  	_ = 	snop  }
0xbc: {  	[tilespmem:s17], [sflag:$0x1] =	stream.indirect_vreg.gather [hbm4b:s3+s2], $0x80, v3, vm0, $0xb8;
	[tilespmem:$0x7000] =	vst v63  }
0xbd: {  	v3 =	vld [tilespmem:s26+$0x0];
	_ =	sdelay $0x4  }
0xbe: {  	v61 =	vshll.u32 v3, $0x1  }
0xbf: {  	v3 =	vand.u32 $0x7, v3;
	v4 =	vand.u32 $0xFFFFFFF0, v61  }
0xc0: {  	v3 =	vor.u32 v3, v4  }
0xc1: {  	v4 =	vperm.xlane v3, v0;
	_ =	sdelay $0x1  }
0xc2: {  	v3 =	vperm.xlane v3, v2;
	v4 =	vadd.s32 v1, v4;
	_ =	sdelay $0x1  }
0xc3: {  	v3 =	vadd.s32 v1, v3;
	_ =	sdelay $0x2  }
0xc4: {  	[tilespmem:s18], [sflag:$0x1] =	stream.indirect_vreg.gather [hbm4b:s3+s2], $0x80, v4, vm0, $0xb8;
	[tilespmem:$0x7000] =	vst v63  }
0xc5: {  	_ = 	snop  }
0xc6: {  	[tilespmem:s19], [sflag:$0x1] =	stream.indirect_vreg.gather [hbm4b:s3+s2], $0x80, v3, vm0, $0xb8;
	[tilespmem:$0x7000] =	vst v63  }
0xc7: {  	v3 =	vld [tilespmem:s26+$0x10];
	_ =	sdelay $0x4  }
0xc8: {  	v62 =	vshll.u32 v3, $0x1  }
0xc9: {  	v3 =	vand.u32 $0x7, v3;
	v4 =	vand.u32 $0xFFFFFFF0, v62  }
0xca: {  	v3 =	vor.u32 v3, v4  }
0xcb: {  	v4 =	vperm.xlane v3, v0;
	_ =	sdelay $0x1  }
0xcc: {  	v3 =	vperm.xlane v3, v2;
	v4 =	vadd.s32 v1, v4;
	_ =	sdelay $0x1  }
0xcd: {  	v3 =	vadd.s32 v1, v3;
	_ =	sdelay $0x2  }
0xce: {  	[tilespmem:s20], [sflag:$0x1] =	stream.indirect_vreg.gather [hbm4b:s3+s2], $0x80, v4, vm0, $0xb8;
	[tilespmem:$0x7000] =	vst v63  }
0xcf: {  	_ = 	snop  }
0xd0: {  	[tilespmem:s21], [sflag:$0x1] =	stream.indirect_vreg.gather [hbm4b:s3+s2], $0x80, v3, vm0, $0xb8;
	[tilespmem:$0x7000] =	vst v63  }
0xd1: {  	v3 =	vld [tilespmem:s26+$0x20];
	_ =	sdelay $0x4  }
0xd2: {  	v63 =	vshll.u32 v3, $0x1  }
0xd3: {  	v3 =	vand.u32 $0x7, v3;
	v4 =	vand.u32 $0xFFFFFFF0, v63  }
0xd4: {  	v3 =	vor.u32 v3, v4  }
0xd5: {  	v4 =	vperm.xlane v3, v0;
	_ =	sdelay $0x1  }
0xd6: {  	v3 =	vperm.xlane v3, v2;
	v4 =	vadd.s32 v1, v4;
	_ =	sdelay $0x1  }
0xd7: {  	v3 =	vadd.s32 v1, v3;
	_ =	sdelay $0x2  }
0xd8: {  	[tilespmem:s22], [sflag:$0x1] =	stream.indirect_vreg.gather [hbm4b:s3+s2], $0x80, v4, vm0, $0xb8;
	[tilespmem:$0x7000] =	vst v63  }
0xd9: {  	_ = 	snop  }
0xda: {  	[tilespmem:s23], [sflag:$0x1] =	stream.indirect_vreg.gather [hbm4b:s3+s2], $0x80, v3, vm0, $0xb8;
	[tilespmem:$0x7000] =	vst v63  }
0xdb: {  	_ =	swait.ge [sflag:s24], $0x6000  }
0xdc: {  	p0 =	sne.s32 s28, $0x1D400;
	[sflag:s24] =	ssyncset.done $0x0  }
.Ltmp0:
0xdd: {  	s29 =	sadd.s32 s28, s9;
	[sflag:s24] =	ssyncadd.s32 $0xFFFFA000;
	(pc) =	sbr.rel @p0 .LBB2_2-.Ltmp0, $4  }
0xde: {  	[hbm4b:s29+s2] =	stream.linear.scatter [tilespmem:s12], [sflag:$0x2], $0x6000, $0x38;
	[tilespmem:$0x7000] =	vst v63  }
0xdf: {  	_ =	swait.ge [sflag:s10], $0x6000  }
0xe0: {  	[sflag:s10] =	ssyncset.done $0x0  }
0xe1: {  	s28 =	sadd.s32 $0xC00, s28;
	s26 =	sadd.s32 $0x60, s26;
	[sflag:s10] =	ssyncadd.s32 $0xFFFFA000  }
0xe2: {  	s25 =	sadd.s32 $0x1, s25  }
0xe3: {  	p0 =	sne.s32 s25, s6  }
.Ltmp1:
0xe4: {  	_ = 	snop;
	(pc) =	sbr.rel @p0 .LBB2_1-.Ltmp1, $1  }
0xe5: {  	_ =	sdelay $0x3  }
0xe6: {  	_ =	sfence.sel $0x180000  }
0xe7: {  	[bflag:$0x0] =	sbarrier.arrive $0xFFFF  }
0xe8: {  	p0 =	sne.s32 s0, $0x0;
	_ =	strace $0x9000004A  }
0xe9: {  	s0 =	sadd.s32 @!p0 $0x100000, s1;
	[bflag:$0x2] =	sbarrier.arrive $0xFFFF  }
0xea: {  	[sflag:s0] =	ssyncadd.tile.s32 @!p0 $0x1;
	_ =	shalt  }
.Lfunc_end2:
_tile_overlayer_lowered:
.L_overlay_start_2:
0xeb: {  	(tag) =	ssettag $0x2  }
0xec: {  	s0 =	rddreg [dreg:$0x0];
	s2 =	stileid.u32  }
0xed: {  	s1 =	rddreg [dreg:$0x1];
	p0 =	sne.s32 s2, $0x0  }
0xee: {  	s3 =	rddreg [dreg:$0x2];
	[bflag:$0x3] =	sbarrier.arrive $0xFFFF;
	s2 =	simm.s32 @!p0 $0x1C02  }
0xef: {  	[timem:s3], [sflag:s2] =	dma.local @!p0 [hbm:s0], s1  }
0xf0: {  	s0 =	simm.s32 @!p0 $0x2  }
0xf1: {  	_ =	swait.ge @!p0 [sflag:s0], s1  }
0xf2: {  	s1 =	ssub.s32 @!p0 $0x0, s1;
	[sflag:s0] =	ssyncset.done @!p0 $0x0  }
0xf3: {  	[sflag:s0] =	ssyncadd.s32 @!p0 s1  }
0xf4: {  	[bflag:$0x3] =	sbarrier.arrive $0xFFFF  }
0xf5: {  	_ =	shalt  }

// kernel: kernel.9.cloned.1.call-start
scs
__scs_entry_jumppad:
0x0: {  	(pc) =	sbr.rel $0x88, $3  }
0x1: {  	(tag) =	ssettag $0x0;
	lr =	simm.s32 $0x1  }
0x2: {  	[smem:$0x3F86] =	sst lr;
	_ =	strace $0xD0000000  }
0x3: {  	_ = 	snop  }
0x4: {  	_ = 	snop  }
0x5: {  	_ = 	snop  }
0x6: {  	_ = 	snop  }
0x7: {  	_ = 	snop  }
__scs_overlays_trampoline_lowered:
0x8: {  	[smem:$0x3F95] =	sst s0  }
0x9: {  	[smem:$0x3F96] =	sst s1  }
0xa: {  	[smem:$0x3F97] =	sst s2  }
0xb: {  	[smem:$0x3F98] =	sst s3  }
0xc: {  	[smem:$0x3F99] =	sst s4  }
0xd: {  	[smem:$0x3F9A] =	sst s5  }
0xe: {  	[smem:$0x3F9B] =	sst s6  }
0xf: {  	[smem:$0x3F9C] =	sst s7  }
0x10: {  	[smem:$0x3F9D] =	sst s8  }
0x11: {  	[smem:$0x3F9E] =	sst s9;
	s0 =	simm.s32 @!p0 $0x0  }
0x12: {  	s1 =	sld [smem:$0x3F84];
	s0 =	simm.s32 @p0 $0x1  }
0x13: {  	[smem:$0x3F9F] =	sst s0;
	s0 =	simm.s32 @!p1 $0x0  }
0x14: {  	s2 =	sld [smem:$0x3F83];
	s0 =	simm.s32 @p1 $0x1  }
0x15: {  	[smem:$0x3FA0] =	sst s0;
	s0 =	simm.s32 @!p2 $0x0  }
0x16: {  	s3 =	sld [smem:$0x3FDB];
	s0 =	simm.s32 @p2 $0x1  }
0x17: {  	s4 =	simm.s32 $0x1BF5;
	[smem:$0x3FA2] =	sst s0  }
0x18: {  	s0 =	sld [smem:$0x3F85];
	_ =	swait.ge [sflag:s4], $0x0  }
0x19: {  	s7 =	sld [smem:$0x3F86]  }
0x1a: {  	s8 =	sadd.s32 $0xFFFFE003, lr  }
0x1b: {  	s9 =	sadd.s32 $0xFFFFFEF7, lr;
	s5 =	simm.s32 $0xFFFFFFFF;
	p2 =	slt.u32 s8, $0xFFFFF086  }
0x1c: {  	p1 =	slt.u32 s9, $0xF7A;
	s5 =	simm.s32 @!p2 $0x0  }
0x1d: {  	s5 =	simm.s32 @p1 $0x1;
	p0 =	seq.s32 s7, s2  }
0x1e: {  	s7 =	smul.u32 @!p0 $0xF7A, s2;
	p2 =	seq.s32 @!p0 s5, $0x0  }
0x1f: {  	s9 =	smul.u32 $0xF7A, s1;
	s8 =	simm.s32 @!p0 $0x1BF5;
	p2 =	por !p2, p0  }
0x20: {  	[sflag:s8] =	ssyncset.s32 @!p0 $0xFFFFF086;
	s6 =	sadd.s32 @!p0 s3, s7;
	s7 =	simm.s32 @!p0 $0x108  }
0x21: {  	s3 =	sadd.s32 s3, s9;
	s6 =	sadd.s32 @!p0 $0x88, s6;
	s7 =	simm.s32 @p2 $0x1082  }
0x22: {  	[simem:s7], [sflag:s8] =	dma.local @!p0 [hbm:s6], $0xF7A  }
0x23: {  	s9 =	sor.u32 $0xD0000000, s2;
	s6 =	simm.s32 $0x108;
	_ =	swait.ge @!p0 [sflag:s8], $0x0  }
0x24: {  	s3 =	sadd.s32 $0x88, s3;
	s6 =	simm.s32 @!p1 $0x1082;
	[sflag:s4] =	ssyncset.s32 $0xFFFFF086  }
0x25: {  	[simem:s6], [sflag:s4] =	dma.local [hbm:s3], $0xF7A  }
0x26: {  	[smem:$0x3F86] =	sst s1;
	(tag) =	ssettag s2;
	_ =	strace s9  }
0x27: {  	s1 =	sld [smem:$0x3F96]  }
0x28: {  	s2 =	sld [smem:$0x3F97]  }
0x29: {  	s4 =	sld [smem:$0x3F99]  }
0x2a: {  	p0 =	seq.s32 s5, $0x0;
	s5 =	sld [smem:$0x3F9A]  }
0x2b: {  	s6 =	sld [smem:$0x3F9B]  }
0x2c: {  	s7 =	sld [smem:$0x3F9C]  }
0x2d: {  	s3 =	simm.s32 $0x108;
	s8 =	sld [smem:$0x3F9D]  }
0x2e: {  	s3 =	simm.s32 @!p0 $0x1082;
	s9 =	sld [smem:$0x3F9E]  }
0x2f: {  	lr =	sadd.s32 s0, s3;
	s0 =	sld [smem:$0x3F95]  }
0x30: {  	s3 =	sld [smem:$0x3F98]  }
0x31: {  	[smem:$0x3FA1] =	sst s10  }
0x32: {  	s10 =	sld [smem:$0x3F9F];
	_ =	sdelay $0x3  }
0x33: {  	p0 =	seq.s32 s10, $0x1;
	s10 =	sld [smem:$0x3FA1];
	_ =	sdelay $0x3  }
0x34: {  	[smem:$0x3FA1] =	sst s10  }
0x35: {  	s10 =	sld [smem:$0x3FA0];
	_ =	sdelay $0x3  }
0x36: {  	p1 =	seq.s32 s10, $0x1;
	s10 =	sld [smem:$0x3FA1];
	_ =	sdelay $0x3  }
0x37: {  	[smem:$0x3FA1] =	sst s10  }
0x38: {  	s10 =	sld [smem:$0x3FA2]  }
0x39: {  	_ = 	snop;
	(pc) =	sbr.ind lr, $3  }
0x3a: {  	_ = 	snop  }
0x3b: {  	_ = 	snop  }
0x3c: {  	p2 =	seq.s32 s10, $0x1;
	s10 =	sld [smem:$0x3FA1]  }
0x3d: {  	_ =	shalt  }
0x3e: {  	_ =	shalt  }
0x3f: {  	_ =	shalt  }
0x40: {  	_ =	shalt  }
0x41: {  	_ =	shalt  }
0x42: {  	_ =	shalt  }
0x43: {  	_ =	shalt  }
0x44: {  	_ =	shalt  }
0x45: {  	_ =	shalt  }
0x46: {  	_ =	shalt  }
0x47: {  	_ =	shalt  }
0x48: {  	_ =	shalt  }
0x49: {  	_ =	shalt  }
0x4a: {  	_ =	shalt  }
0x4b: {  	_ =	shalt  }
0x4c: {  	_ =	shalt  }
0x4d: {  	_ =	shalt  }
0x4e: {  	_ =	shalt  }
0x4f: {  	_ =	shalt  }
0x50: {  	_ =	shalt  }
0x51: {  	_ =	shalt  }
0x52: {  	_ =	shalt  }
0x53: {  	_ =	shalt  }
0x54: {  	_ =	shalt  }
0x55: {  	_ =	shalt  }
0x56: {  	_ =	shalt  }
0x57: {  	_ =	shalt  }
0x58: {  	_ =	shalt  }
0x59: {  	_ =	shalt  }
0x5a: {  	_ =	shalt  }
0x5b: {  	_ =	shalt  }
0x5c: {  	_ =	shalt  }
0x5d: {  	_ =	shalt  }
0x5e: {  	_ =	shalt  }
0x5f: {  	_ =	shalt  }
0x60: {  	_ =	shalt  }
0x61: {  	_ =	shalt  }
0x62: {  	_ =	shalt  }
0x63: {  	_ =	shalt  }
0x64: {  	_ =	shalt  }
0x65: {  	_ =	shalt  }
0x66: {  	_ =	shalt  }
0x67: {  	_ =	shalt  }
0x68: {  	_ =	shalt  }
0x69: {  	_ =	shalt  }
0x6a: {  	_ =	shalt  }
0x6b: {  	_ =	shalt  }
0x6c: {  	_ =	shalt  }
0x6d: {  	_ =	shalt  }
0x6e: {  	_ =	shalt  }
0x6f: {  	_ =	shalt  }
0x70: {  	_ =	shalt  }
0x71: {  	_ =	shalt  }
0x72: {  	_ =	shalt  }
0x73: {  	_ =	shalt  }
0x74: {  	_ =	shalt  }
0x75: {  	_ =	shalt  }
0x76: {  	_ =	shalt  }
0x77: {  	_ =	shalt  }
0x78: {  	_ =	shalt  }
0x79: {  	_ =	shalt  }
0x7a: {  	_ =	shalt  }
0x7b: {  	_ =	shalt  }
0x7c: {  	_ =	shalt  }
0x7d: {  	_ =	shalt  }
0x7e: {  	_ =	shalt  }
0x7f: {  	_ =	shalt  }
0x80: {  	_ =	shalt  }
0x81: {  	_ =	shalt  }
0x82: {  	_ =	shalt  }
0x83: {  	_ =	shalt  }
0x84: {  	_ =	shalt  }
0x85: {  	_ =	shalt  }
0x86: {  	_ =	shalt  }
0x87: {  	_ =	shalt  }
.Lfunc_end0:
.L_simem_size_0:
called_computation.1_lowered:
.L_overlay_start_0:
0x88: {  	s2 =	sld [smem:$0x3FD9]  }
0x89: {  	s3 =	sld [smem:$0x3FFE];
	_ =	sdelay $0x1  }
0x8a: {  	s1 =	srdreg.scid  }
0x8b: {  	s0 =	sand.u32 $0x1, s1  }
0x8c: {  	s16 =	sshll.u32 s0, $0xA;
	s2 =	sadd.s32 s3, s2  }
0x8d: {  	s2 =	sadd.s32 s2, s16  }
0x8e: {  	[smem:$0x3FAD] =	sst s2  }
0x8f: {  	_ = 	snop  }
0x90: {  	(tm) =	ssettm $0x1  }
0x91: {  	s17 =	sld [smem:$0x3FFB];
	_ =	sdelay $0x3  }
0x92: {  	_ =	strace s17  }
0x93: {  	s2 =	sld [smem:$0x3FFC];
	_ =	sdelay $0x3  }
0x94: {  	_ =	strace s2  }
0x95: {  	s2 =	sld [smem:$0x3FFD];
	_ =	sdelay $0x3  }
0x96: {  	_ =	strace s2  }
0x97: {  	_ =	strace $0x8FFFFFFF  }
0x98: {  	s18 =	sld [smem:$0x3FDB];
	_ =	sdelay $0x1  }
0x99: {  	s19 =	simm.s32 $_scs_section_size  }
0x9a: {  	s4 =	simm.s32 $_size__tile_overlayer_lowered;
	s5 =	simm.s32 $_tile_overlayer_lowered  }
0x9b: {  	s22 =	simm.s32 $0x1BFF;
	s21 =	sshll.u32 s5, $0x1;
	s2 =	sadd.s32 s19, s18  }
0x9c: {  	s6 =	simm.s32 $0x0;
	s20 =	sshll.u32 s4, $0x1;
	s4 =	sadd.s32 s21, s2  }
0x9d: {  	[timem:s6], [sflag:s22] =	dma.local [hbm:s4], s20  }
0x9e: {  	_ =	swait.ge [sflag:s22], s20  }
0x9f: {  	s3 =	ssub.s32 $0x0, s20;
	[sflag:s22] =	ssyncset.done $0x0  }
0xa0: {  	[sflag:s22] =	ssyncadd.s32 s3;
	_ =	sdelay $0x1  }
0xa1: {  	s23 =	simm.s32 $0x1B8B  }
0xa2: {  	_ =	swait.ge [sflag:s23], $0x1  }
0xa3: {  	[sflag:s23] =	ssyncset.done $0x0  }
0xa4: {  	s25 =	simm.s32 $0x1B8E;
	s24 =	sld [smem:$0x3FFE];
	[sflag:s23] =	ssyncadd.s32 $0xFFFFFFFF  }
0xa5: {  	s26 =	simm.s32 $execute0_lowered;
	[smem:$0x3FD2] =	sst s25  }
0xa6: {  	s4 =	sshll.u32 s26, $0x1;
	_ =	strace $0x80000046;
	[dreg:$0x1] =	wrdreg $0xFFFFFFFF  }
0xa7: {  	s28 =	simm.s32 $_size_execute0_lowered;
	s2 =	sadd.s32 s2, s4;
	[dreg:$0x0] =	wrdreg $0x0  }
0xa8: {  	s4 =	sshll.u32 s28, $0x1;
	[dreg:$0x2] =	wrdreg s2  }
0xa9: {  	[dreg:$0x3] =	wrdreg s4  }
0xaa: {  	[dreg:$0x4] =	wrdreg $0xC0  }
0xab: {  	_ =	task [dreg:s6], $0x5FFFF  }
0xac: {  	[dreg:$0x1] =	wrdreg $0xFFFFFFFF  }
0xad: {  	[dreg:$0x0] =	wrdreg $0x60  }
0xae: {  	[dreg:$0x2] =	wrdreg s24  }
0xaf: {  	[dreg:$0x3] =	wrdreg $0xA  }
0xb0: {  	_ =	task.clear_ibuf [dreg:s6], $0x4FFFF;
	_ =	strace $0x90000046  }
0xb1: {  	s29 =	simm.s32 $0xA;
	_ =	strace $0x80000048  }
0xb2: {  	_ =	swait.ge [sflag:s29], $0x1  }
0xb3: {  	[sflag:s29] =	ssyncadd.s32 $0xFFFFFFFF  }
0xb4: {  	_ =	strace $0x90000048  }
0xb5: {  	_ =	sfence  }
0xb6: {  	s30 =	sld [smem:$0x0];
	_ =	sdelay $0x2  }
0xb7: {  	s31 =	sshll.u32 s1, $0xD;
	s1 =	sshrl.u32 s1, $0x2  }
0xb8: {  	s3 =	sand.u32 $0x4000, s31;
	s1 =	sadd.s32 s1, s30  }
0xb9: {  	s0 =	sor.u32 s3, s0;
	s1 =	sshll.u32 s1, $0x11  }
0xba: {  	s0 =	sor.u32 s1, s0  }
0xbb: {  	s0 =	sadd.s32 $0x8F2B, s0  }
0xbc: {  	[sflag:s0] =	ssyncadd.remote.s32 $0x1  }
0xbd: {  	_ =	sfence.sel $0xFFFF  }
0xbe: {  	[dreg:$0x0] =	wrdreg $0xFFFFFFFF;
	(pc) =	sbr.abs _section_cstart, $3  }
0xbf: {  	[dreg:$0x1] =	wrdreg $0xFFFFFFFF  }
0xc0: {  	_ =	task.clear_ibuf [dreg:s6], $0x2FFFF;
	_ =	strace $0x9FFFFFFF  }
0xc1: {  	(tm) =	ssettm $0x7FFFFFFF  }
tec
execute0_lowered:
.L_overlay_start_1:
0x0: {  	(tag) =	ssettag $0x1  }
0x1: {  	s1 =	srdreg.scid;
	s0 =	stileid.u32  }
0x2: {  	s6 =	sand.u32 $0x1, s1;
	s30 =	sshll.u32 s0, $0x1  }
0x3: {  	s8 =	rddreg [dreg:$0x0];
	s7 =	sor.u32 s6, s30  }
0x4: {  	s2 =	simm.s32 $0x0;
	s1 =	rddreg [dreg:$0x1];
	s3 =	smul.u32 $0x1E0, s7  }
0x5: {  	[smem:$0x7FF] =	sst s2;
	s5 =	sadd.s32 $0x186D200, s8  }
0x6: {  	_ =	strace $0x80000047;
	s10 =	ssub.s32 $0x2, s6;
	s3 =	sadd.s32 s3, s8  }
0x7: {  	s6 =	simm.s32 $0xF00;
	s4 =	sadd.s32 $0x3200, s3;
	s3 =	simm.s32 $0x2  }
0x8: {  	[tilespmem:s2], [sflag:$0x2] =	stream.linear.gather [hbm4b:s4+s2], $0xF00, $0x38;
	[tilespmem:$0xFF00] =	vst v63  }
0x9: {  	s9 =	smul.u32 $0x1E00, s7;
	s11 =	sshrl.u32 s10, $0x1;
	_ =	swait.ge [sflag:s3], $0xF00  }
0xa: {  	s7 =	simm.s32 $0x1;
	s31 =	ssub.s32 s10, s11;
	[sflag:s3] =	ssyncset.done $0x0  }
0xb: {  	s8 =	sadd.s32 s9, s8;
	s9 =	smax.u32 s31, $0x1;
	[sflag:s3] =	ssyncadd.s32 $0xFFFFF100  }
0xc: {  	[tilespmem:s6], [sflag:$0x1] =	stream.indirect.gather [hbm4b:s5+s6], $0x10, s2, s6, $0xb8;
	[tilespmem:$0xFF00] =	vst v63  }
0xd: {  	p0 =	sne.s32 s9, $0x1;
	_ =	swait.ge [sflag:s7], $0xF000  }
.Ltmp0:
0xe: {  	[sflag:s7] =	ssyncset.done $0x0;
	(pc) =	sbr.rel @!p0 .LBB2_2-.Ltmp0, $4  }
0xf: {  	s8 =	sadd.s32 $0x6E00, s8;
	[sflag:s7] =	ssyncadd.s32 $0xFFFF1000  }
0x10: {  	[hbm4b:s8+s2] =	stream.linear.scatter [tilespmem:s6], [sflag:$0x2], $0xF000, $0x38;
	[tilespmem:$0xFF00] =	vst v63  }
0x11: {  	_ =	swait.ge [sflag:s3], $0xF000  }
0x12: {  	s9 =	sadd.s32 $0xFFFFFFFF, s9;
	[sflag:s3] =	ssyncset.done $0x0  }
.LBB2_1:
0x13: {  	p0 =	sne.s32 s9, $0x1;
	s9 =	sadd.s32 $0xFFFFFFFF, s9;
	[sflag:s3] =	ssyncadd.s32 $0xFFFF1000  }
0x14: {  	[tilespmem:s2], [sflag:$0x2] =	stream.linear.gather [hbm4b:s4+s2], $0xF00, $0x38;
	[tilespmem:$0xFF00] =	vst v63  }
0x15: {  	_ =	swait.ge [sflag:s3], $0xF00  }
0x16: {  	[sflag:s3] =	ssyncset.done $0x0  }
0x17: {  	[sflag:s3] =	ssyncadd.s32 $0xFFFFF100  }
0x18: {  	[tilespmem:s6], [sflag:$0x1] =	stream.indirect.gather [hbm4b:s5+s6], $0x10, s2, s6, $0xb8;
	[tilespmem:$0xFF00] =	vst v63  }
0x19: {  	_ =	swait.ge [sflag:s7], $0xF000  }
.Ltmp1:
0x1a: {  	[sflag:s7] =	ssyncset.done $0x0;
	(pc) =	sbr.rel @p0 .LBB2_1-.Ltmp1, $4  }
0x1b: {  	[sflag:s7] =	ssyncadd.s32 $0xFFFF1000  }
0x1c: {  	[hbm4b:s8+s2] =	stream.linear.scatter [tilespmem:s6], [sflag:$0x2], $0xF000, $0x38;
	[tilespmem:$0xFF00] =	vst v63  }
0x1d: {  	_ =	swait.ge [sflag:s3], $0xF000  }
0x1e: {  	[sflag:s3] =	ssyncset.done $0x0  }
.LBB2_2:
0x1f: {  	[sflag:s3] =	ssyncadd.s32 $0xFFFF1000  }
0x20: {  	_ =	sfence.sel $0x180000  }
0x21: {  	[bflag:$0x0] =	sbarrier.arrive $0xFFFF  }
0x22: {  	p0 =	sne.s32 s0, $0x0;
	_ =	strace $0x90000047  }
0x23: {  	s0 =	sadd.s32 @!p0 $0x100000, s1;
	[bflag:$0x2] =	sbarrier.arrive $0xFFFF  }
0x24: {  	[sflag:s0] =	ssyncadd.tile.s32 @!p0 $0x1;
	_ =	shalt  }
.Lfunc_end2:
_tile_overlayer_lowered:
.L_overlay_start_2:
0x25: {  	(tag) =	ssettag $0x2  }
0x26: {  	s0 =	rddreg [dreg:$0x0];
	s2 =	stileid.u32  }
0x27: {  	s1 =	rddreg [dreg:$0x1];
	p0 =	sne.s32 s2, $0x0  }
0x28: {  	s3 =	rddreg [dreg:$0x2];
	[bflag:$0x3] =	sbarrier.arrive $0xFFFF;
	s2 =	simm.s32 @!p0 $0x1C02  }
0x29: {  	[timem:s3], [sflag:s2] =	dma.local @!p0 [hbm:s0], s1  }
0x2a: {  	s0 =	simm.s32 @!p0 $0x2  }
0x2b: {  	_ =	swait.ge @!p0 [sflag:s0], s1  }
0x2c: {  	s1 =	ssub.s32 @!p0 $0x0, s1;
	[sflag:s0] =	ssyncset.done @!p0 $0x0  }
0x2d: {  	[sflag:s0] =	ssyncadd.s32 @!p0 s1  }
0x2e: {  	[bflag:$0x3] =	sbarrier.arrive $0xFFFF  }
0x2f: {  	_ =	shalt  }

</sc_bundles>
